<compile_context>
chip_gen: v7x
topology: tpu7x:2x2x1
jax: 0.10.2.dev20260603
libtpu: 0.0.44.dev20260713+nightly
codegen_flags: <defaults>
</compile_context>

<pallas_src>
import functools

import jax
import jax.numpy as jnp
from jax import lax
from jax.experimental import pallas as pl
from jax.experimental.pallas import tpu as pltpu
from jax.experimental.pallas import tpu_sc as plsc

NUM_ROWS = 1_000_000
EMBED_K = 16
BATCH = 16384
NUM_WORKERS = 32
BPW = BATCH // NUM_WORKERS
LANES = 16

NBLK = 7813
LAST_BLK = NBLK - 1
LINE_ROWS = NBLK * 16
SUP_BLKS = 12
SUP_COLS = SUP_BLKS * 128
NSUP = (NBLK - 1) // SUP_BLKS
NITER = -(-NSUP // NUM_WORKERS)

BURST = 256
BURSTS = BPW // BURST
BCHUNKS = BURST // LANES

_mesh = plsc.VectorSubcoreMesh(core_axis_name="c", subcore_axis_name="s")


@functools.partial(
    pl.kernel,
    out_type=(jax.ShapeDtypeStruct((LINE_ROWS, 128), jnp.float32),
              jax.ShapeDtypeStruct((LINE_ROWS, 128), jnp.float32)),
    mesh=_mesh,
    compiler_params=pltpu.CompilerParams(needs_layout_passes=False),
    scratch_types=[
        pltpu.VMEM((16, SUP_COLS + 1), jnp.float32),
        pltpu.VMEM((16, SUP_COLS + 1), jnp.float32),
        pltpu.VMEM((16 * SUP_BLKS, 128), jnp.float32),
        pltpu.VMEM((16 * SUP_BLKS, 128), jnp.float32),
        pltpu.SemaphoreType.DMA,
        pltpu.SemaphoreType.DMA,
    ],
)
def _detile(wt_hbm, ht_hbm, wlin_hbm, hlin_hbm,
            b0, b1, t0, t1, sem_r, sem_w):
    wid = lax.axis_index("s") * 2 + lax.axis_index("c")
    lane = lax.iota(jnp.int32, LANES)
    bufs = (b0, b1)
    tbufs = (t0, t1)

    zero16 = jnp.zeros((LANES,), jnp.int32)

    def transpose_block_small(B, T):
        def row_body(t16, _):
            for m in range(8):
                T[t16, pl.ds(m * LANES, LANES)] = (
                    plsc.load_gather(B, [lane, zero16 + (8 * t16 + m)]))
            return 0

        lax.fori_loop(0, 16, row_body, 0)

    def transpose_block(B, T, blk, bcol):
        base = blk * 16

        def pair_body(p, _):
            r0 = base + 2 * p
            c0 = bcol + 16 * p
            for sub in range(2):
                for m in range(8):
                    T[r0 + sub, pl.ds(m * LANES, LANES)] = (
                        plsc.load_gather(B, [lane, zero16 + (c0 + 8 * sub + m)]))
            return 0

        lax.fori_loop(0, 8, pair_body, 0)

    def run_table(src_hbm, dst_hbm):
        def start_read(s, buf):
            @pl.when(s < NSUP)
            def _():
                pltpu.make_async_copy(
                    src_hbm.at[:, pl.ds(s * SUP_COLS, SUP_COLS)],
                    buf.at[:, pl.ds(0, SUP_COLS)], sem_r).start()

        def wait_read():
            pltpu.make_async_copy(
                src_hbm.at[:, pl.ds(0, SUP_COLS)],
                b0.at[:, pl.ds(0, SUP_COLS)], sem_r).wait()

        def wait_write():
            pltpu.make_async_copy(
                src_hbm.at[:, pl.ds(0, SUP_COLS)], t0, sem_w).wait()

        start_read(wid, bufs[0])

        def step(t, parity):
            s = t * NUM_WORKERS + wid
            start_read(s + NUM_WORKERS, bufs[1 - parity])
            B = bufs[parity]
            T = tbufs[parity]

            @pl.when(s < NSUP)
            def _():
                wait_read()

                @pl.when(t >= 2)
                def _():
                    wait_write()

                def blk_body(blk, _):
                    transpose_block(B, T, blk, blk * 128)
                    return 0

                lax.fori_loop(0, SUP_BLKS, blk_body, 0)
                pltpu.make_async_copy(
                    T, dst_hbm.at[pl.ds(s * 16 * SUP_BLKS, 16 * SUP_BLKS)],
                    sem_w).start()

        def body(u, _):
            for parity in (0, 1):
                step(2 * u + parity, parity)
            return 0

        lax.fori_loop(0, (NITER + 2) // 2, body, 0)
        wait_write()
        wait_write()

        @pl.when(wid == 0)
        def _():
            for k in range(16):
                pltpu.sync_copy(
                    src_hbm.at[k, pl.ds(LAST_BLK * 128, 64)],
                    b0.at[k, pl.ds(0, 64)])
            transpose_block_small(b0, t0)
            pltpu.sync_copy(t0.at[pl.ds(0, 16)],
                            dst_hbm.at[pl.ds(LAST_BLK * 16, 16)])

    run_table(wt_hbm, wlin_hbm)
    run_table(ht_hbm, hlin_hbm)


@functools.partial(
    pl.kernel,
    out_type=jax.ShapeDtypeStruct((BATCH,), jnp.float32),
    mesh=_mesh,
    compiler_params=pltpu.CompilerParams(needs_layout_passes=False),
    scratch_types=[
        pltpu.VMEM((BPW,), jnp.int32),
        pltpu.VMEM((BPW,), jnp.int32),
        pltpu.VMEM((BPW,), jnp.int32),
        pltpu.VMEM((BPW,), jnp.int32),
        pltpu.VMEM((BURST, 128), jnp.float32),
        pltpu.VMEM((BURST, 128), jnp.float32),
        pltpu.VMEM((BPW,), jnp.float32),
        pltpu.SemaphoreType.DMA,
        pltpu.SemaphoreType.DMA,
    ],
)
def _mf_predict(uidx_hbm, vidx_hbm, wlin_hbm, hlin_hbm, out_hbm,
                uidx_v, vidx_v, usamp_v, vsamp_v, u2d, v2d, o_v,
                sem_u, sem_v):
    wid = lax.axis_index("s") * 2 + lax.axis_index("c")
    base = wid * BPW

    pltpu.sync_copy(uidx_hbm.at[pl.ds(base, BPW)], uidx_v)
    pltpu.sync_copy(vidx_hbm.at[pl.ds(base, BPW)], vidx_v)

    def samp_body(c, _):
        off = pl.ds(c * LANES, LANES)
        usamp_v[off] = uidx_v[off] >> 3
        vsamp_v[off] = vidx_v[off] >> 3
        return 0

    lax.fori_loop(0, BPW // LANES, samp_body, 0)

    lane = lax.iota(jnp.int32, LANES)

    for b in range(BURSTS):
        boff = pl.ds(b * BURST, BURST)
        cu = pltpu.async_copy(wlin_hbm.at[usamp_v.at[boff]], u2d, sem_u)
        cv = pltpu.async_copy(hlin_hbm.at[vsamp_v.at[boff]], v2d, sem_v)
        cu.wait()
        cv.wait()

        def chunk_body(g, _):
            goff = pl.ds(b * BURST + g * LANES, LANES)
            rowv = g * LANES + lane
            ucol = (uidx_v[goff] & 7) << 4
            vcol = (vidx_v[goff] & 7) << 4
            acc = jnp.zeros((LANES,), jnp.float32)
            for k in range(EMBED_K):
                uw = plsc.load_gather(u2d, [rowv, ucol + k])
                vw = plsc.load_gather(v2d, [rowv, vcol + k])
                acc = acc + uw * vw
            o_v[goff] = 1.0 / (1.0 + jnp.exp(-acc))
            return 0

        lax.fori_loop(0, BCHUNKS, chunk_body, 0)

    pltpu.sync_copy(o_v, out_hbm.at[pl.ds(base, BPW)])


def kernel(x, W, H):
    uidx = x[:, 0].astype(jnp.int32)
    vidx = x[:, 1].astype(jnp.int32)
    return _mf_predict(uidx, vidx,
                       W.reshape(NUM_ROWS // 8, 128),
                       H.reshape(NUM_ROWS // 8, 128))

# --- scband reference (transcript-rebuilt; emitter-appended) ---
"""Pipeline reference for scband-mf-adpt-cdr-46256797778086 (READ-ONLY COPY).

The authoritative reference and input builder live on the scoring server;
editing this copy changes nothing except your own understanding.
"""

import jax, jax.numpy as jnp
import numpy as np

NUM_USERS = 1000000
NUM_ITEMS = 1000000
EMBED_K = 16
BATCH = 16384

def setup_inputs(seed: int = 0) -> dict:
    key = jax.random.key(seed)
    k_x, k_w, k_h = jax.random.split(key, 3)
    x = jax.random.randint(k_x, (BATCH, 2), 0, NUM_USERS, dtype=jnp.int64) if jax.config.jax_enable_x64 else jax.random.randint(k_x, (BATCH, 2), 0, NUM_USERS).astype(jnp.int32)
    # user embedding table W and item embedding table H of the prediction MF model
    W = jax.random.normal(k_w, (NUM_USERS, EMBED_K), dtype=jnp.float32)
    H = jax.random.normal(k_h, (NUM_ITEMS, EMBED_K), dtype=jnp.float32)
    return {"x": x, "W": W, "H": H}

def reference(x, W, H):
    # MF_adpt_cdr inference path: prediction MF model
    # out = sigmoid(sum(U_emb * V_emb, axis=1))
    user_idx = x[:, 0]
    item_idx = x[:, 1]
    U_emb = jnp.take(W, user_idx, axis=0)
    V_emb = jnp.take(H, item_idx, axis=0)
    out = jax.nn.sigmoid(jnp.sum(U_emb * V_emb, axis=1))
    return out

if __name__ == "__main__":
    import jax
    _d = setup_inputs()
    print(jax.jit(kernel)(*tuple(_d.values())))

</pallas_src>

<mosaic_0001>
#map = affine_map<(d0, d1) -> (0)>
#map1 = affine_map<(d0, d1) -> (0, 0)>
module attributes {stable_mosaic.version = 14 : i64} {
  func.func @_mf_predict(%arg0: i32, %arg1: i32, %arg2: memref<16384xi32, #tpu.memory_space<hbm>>, %arg3: memref<16384xi32, #tpu.memory_space<hbm>>, %arg4: memref<125000x128xf32, #tpu.memory_space<hbm>>, %arg5: memref<125000x128xf32, #tpu.memory_space<hbm>>, %arg6: memref<16384xf32, #tpu.memory_space<hbm>>, %arg7: memref<512xi32, #tpu.memory_space<vmem>>, %arg8: memref<512xi32, #tpu.memory_space<vmem>>, %arg9: memref<512xi32, #tpu.memory_space<vmem>>, %arg10: memref<512xi32, #tpu.memory_space<vmem>>, %arg11: memref<256x128xf32, #tpu.memory_space<vmem>>, %arg12: memref<256x128xf32, #tpu.memory_space<vmem>>, %arg13: memref<512xf32, #tpu.memory_space<vmem>>, %arg14: memref<!tpu.dma_semaphore, #tpu.memory_space<semaphore_mem>>, %arg15: memref<!tpu.dma_semaphore, #tpu.memory_space<semaphore_mem>>) attributes {dimension_semantics = [#tpu.dimension_semantics<core_parallel>, #tpu.dimension_semantics<subcore_parallel>], iteration_bounds = array<i64: 2, 16>, scalar_prefetch = 0 : i64, scratch_operands = 9 : i64, tpu.core_type = #tpu.core_type<sc_vector_subcore>, window_params = [{transform_indices = #map}, {transform_indices = #map}, {transform_indices = #map1}, {transform_indices = #map1}, {transform_indices = #map}]} {
    %mul3A = arith.constant 2 : i32
    %mul3A_0 = arith.muli %arg1, %mul3A : i32
    %add3A = arith.addi %mul3A_0, %arg0 : i32
    %mul3A_1 = arith.constant 512 : i32
    %mul3A_2 = arith.muli %add3A, %mul3A_1 : i32
    "tpu.region"() ({
      %run_scoped3A = tpu.sem_alloc : memref<!tpu.dma_semaphore, #tpu.memory_space<semaphore_mem>>
      %dma_start3A_61 = tpu.memref_slice %arg2[%mul3A_2] : memref<16384xi32, #tpu.memory_space<hbm>> -> memref<512xi32, #tpu.memory_space<hbm>>
      %dma_start3A_62 = tpu.memref_slice %arg2[%mul3A_2] : memref<16384xi32, #tpu.memory_space<hbm>> -> memref<512xi32, #tpu.memory_space<hbm>>
      tpu.enqueue_dma source(%dma_start3A_62 : memref<512xi32, #tpu.memory_space<hbm>>) target(%arg7 : memref<512xi32, #tpu.memory_space<vmem>>) target_semaphore(%run_scoped3A : memref<!tpu.dma_semaphore, #tpu.memory_space<semaphore_mem>>)
      %dma_wait3A_63 = tpu.memref_slice %arg2[%mul3A_2] : memref<16384xi32, #tpu.memory_space<hbm>> -> memref<512xi32, #tpu.memory_space<hbm>>
      %dma_wait3A_64 = tpu.memref_slice %arg2[%mul3A_2] : memref<16384xi32, #tpu.memory_space<hbm>> -> memref<512xi32, #tpu.memory_space<hbm>>
      tpu.wait_dma2 semaphore(%run_scoped3A : memref<!tpu.dma_semaphore, #tpu.memory_space<semaphore_mem>>) src(%dma_wait3A_64 : memref<512xi32, #tpu.memory_space<hbm>>) dst(%arg7 : memref<512xi32, #tpu.memory_space<vmem>>)
      tpu.yield
    }) : () -> ()
    "tpu.region"() ({
      %run_scoped3A = tpu.sem_alloc : memref<!tpu.dma_semaphore, #tpu.memory_space<semaphore_mem>>
      %dma_start3A_61 = tpu.memref_slice %arg3[%mul3A_2] : memref<16384xi32, #tpu.memory_space<hbm>> -> memref<512xi32, #tpu.memory_space<hbm>>
      %dma_start3A_62 = tpu.memref_slice %arg3[%mul3A_2] : memref<16384xi32, #tpu.memory_space<hbm>> -> memref<512xi32, #tpu.memory_space<hbm>>
      tpu.enqueue_dma source(%dma_start3A_62 : memref<512xi32, #tpu.memory_space<hbm>>) target(%arg8 : memref<512xi32, #tpu.memory_space<vmem>>) target_semaphore(%run_scoped3A : memref<!tpu.dma_semaphore, #tpu.memory_space<semaphore_mem>>)
      %dma_wait3A_63 = tpu.memref_slice %arg3[%mul3A_2] : memref<16384xi32, #tpu.memory_space<hbm>> -> memref<512xi32, #tpu.memory_space<hbm>>
      %dma_wait3A_64 = tpu.memref_slice %arg3[%mul3A_2] : memref<16384xi32, #tpu.memory_space<hbm>> -> memref<512xi32, #tpu.memory_space<hbm>>
      tpu.wait_dma2 semaphore(%run_scoped3A : memref<!tpu.dma_semaphore, #tpu.memory_space<semaphore_mem>>) src(%dma_wait3A_64 : memref<512xi32, #tpu.memory_space<hbm>>) dst(%arg8 : memref<512xi32, #tpu.memory_space<vmem>>)
      tpu.yield
    }) : () -> ()
    %scan3A = arith.constant 0 : i32
    %scan3A_3 = arith.constant 0 : i32
    %scan3A_4 = arith.constant 32 : i32
    %scan3A_5 = arith.addi %scan3A_3, %scan3A_4 : i32
    %scan3A_6 = arith.constant 1 : i32
    %scan3A_7 = scf.for %scan3A_61 = %scan3A_3 to %scan3A_5 step %scan3A_6 iter_args(%scan3A_62 = %scan3A) -> (i32)  : i32 {
      %mul3A_63 = arith.constant 16 : i32
      %mul3A_64 = arith.muli %scan3A_61, %mul3A_63 : i32
      %get3A = arith.index_cast %mul3A_64 : i32 to index
      %get3A_65 = tpu.vector_load %arg7[%get3A] {strides = array<i32>} : memref<512xi32, #tpu.memory_space<vmem>>, vector<16xi32>,
      %shift_right_arithmetic3A = arith.constant 3 : i32
      %shift_right_arithmetic3A_66 = vector.broadcast %shift_right_arithmetic3A : i32 to vector<16xi32>
      %shift_right_arithmetic3A_67 = arith.shrsi %get3A_65, %shift_right_arithmetic3A_66 : vector<16xi32>
      %swap3A = arith.index_cast %mul3A_64 : i32 to index
      %swap3A_68 = tpu.vector_load %arg9[%swap3A] {strides = array<i32>} : memref<512xi32, #tpu.memory_space<vmem>>, vector<16xi32>,
      tpu.vector_store %arg9[%swap3A], %shift_right_arithmetic3A_67 {strides = array<i32>} : memref<512xi32, #tpu.memory_space<vmem>>, vector<16xi32>,
      %get3A_69 = arith.index_cast %mul3A_64 : i32 to index
      %get3A_70 = tpu.vector_load %arg8[%get3A_69] {strides = array<i32>} : memref<512xi32, #tpu.memory_space<vmem>>, vector<16xi32>,
      %shift_right_arithmetic3A_71 = arith.constant 3 : i32
      %shift_right_arithmetic3A_72 = vector.broadcast %shift_right_arithmetic3A_71 : i32 to vector<16xi32>
      %shift_right_arithmetic3A_73 = arith.shrsi %get3A_70, %shift_right_arithmetic3A_72 : vector<16xi32>
      %swap3A_74 = arith.index_cast %mul3A_64 : i32 to index
      %swap3A_75 = tpu.vector_load %arg10[%swap3A_74] {strides = array<i32>} : memref<512xi32, #tpu.memory_space<vmem>>, vector<16xi32>,
      tpu.vector_store %arg10[%swap3A_74], %shift_right_arithmetic3A_73 {strides = array<i32>} : memref<512xi32, #tpu.memory_space<vmem>>, vector<16xi32>,
      %scan3A_76 = arith.constant 0 : i32
      scf.yield %scan3A_76 : i32
    }
    %scan3A_8 = arith.constant 32 : i32
    %iota3A = tpu.iota {dimensions = array<i32: 0>} : vector<16xi32>
    %dma_start3A = arith.constant 0 : i32
    %dma_start3A_9 = tpu.memref_slice %arg9[%dma_start3A] : memref<512xi32, #tpu.memory_space<vmem>> -> memref<256xi32, #tpu.memory_space<vmem>>
    %dma_start3A_10 = arith.constant 0 : i32
    %dma_start3A_11 = arith.constant 0 : i32
    %dma_start3A_12 = tpu.memref_slice %arg4[%dma_start3A_10, %dma_start3A_11] : memref<125000x128xf32, #tpu.memory_space<hbm>> -> memref<125000x128xf32, #tpu.memory_space<hbm>>
    tpu.enqueue_indirect_dma source(%dma_start3A_12 : memref<125000x128xf32, #tpu.memory_space<hbm>>) target(%arg11 : memref<256x128xf32, #tpu.memory_space<vmem>>) offsets(%dma_start3A_9 : memref<256xi32, #tpu.memory_space<vmem>>) semaphore(%arg14 : memref<!tpu.dma_semaphore, #tpu.memory_space<semaphore_mem>>)
    %dma_start3A_13 = arith.constant 0 : i32
    %dma_start3A_14 = tpu.memref_slice %arg10[%dma_start3A_13] : memref<512xi32, #tpu.memory_space<vmem>> -> memref<256xi32, #tpu.memory_space<vmem>>
    %dma_start3A_15 = arith.constant 0 : i32
    %dma_start3A_16 = arith.constant 0 : i32
    %dma_start3A_17 = tpu.memref_slice %arg5[%dma_start3A_15, %dma_start3A_16] : memref<125000x128xf32, #tpu.memory_space<hbm>> -> memref<125000x128xf32, #tpu.memory_space<hbm>>
    tpu.enqueue_indirect_dma source(%dma_start3A_17 : memref<125000x128xf32, #tpu.memory_space<hbm>>) target(%arg12 : memref<256x128xf32, #tpu.memory_space<vmem>>) offsets(%dma_start3A_14 : memref<256xi32, #tpu.memory_space<vmem>>) semaphore(%arg15 : memref<!tpu.dma_semaphore, #tpu.memory_space<semaphore_mem>>)
    %dma_wait3A = arith.constant 0 : i32
    %dma_wait3A_18 = tpu.memref_slice %arg9[%dma_wait3A] : memref<512xi32, #tpu.memory_space<vmem>> -> memref<256xi32, #tpu.memory_space<vmem>>
    %dma_wait3A_19 = arith.constant 0 : i32
    %dma_wait3A_20 = arith.constant 0 : i32
    %dma_wait3A_21 = tpu.memref_slice %arg4[%dma_wait3A_19, %dma_wait3A_20] : memref<125000x128xf32, #tpu.memory_space<hbm>> -> memref<125000x128xf32, #tpu.memory_space<hbm>>
    tpu.wait_indirect_dma semaphore(%arg14 : memref<!tpu.dma_semaphore, #tpu.memory_space<semaphore_mem>>) src(%dma_wait3A_21 : memref<125000x128xf32, #tpu.memory_space<hbm>>) dst(%arg11 : memref<256x128xf32, #tpu.memory_space<vmem>>)
    %dma_wait3A_22 = arith.constant 0 : i32
    %dma_wait3A_23 = tpu.memref_slice %arg10[%dma_wait3A_22] : memref<512xi32, #tpu.memory_space<vmem>> -> memref<256xi32, #tpu.memory_space<vmem>>
    %dma_wait3A_24 = arith.constant 0 : i32
    %dma_wait3A_25 = arith.constant 0 : i32
    %dma_wait3A_26 = tpu.memref_slice %arg5[%dma_wait3A_24, %dma_wait3A_25] : memref<125000x128xf32, #tpu.memory_space<hbm>> -> memref<125000x128xf32, #tpu.memory_space<hbm>>
    tpu.wait_indirect_dma semaphore(%arg15 : memref<!tpu.dma_semaphore, #tpu.memory_space<semaphore_mem>>) src(%dma_wait3A_26 : memref<125000x128xf32, #tpu.memory_space<hbm>>) dst(%arg12 : memref<256x128xf32, #tpu.memory_space<vmem>>)
    %scan3A_27 = arith.constant 0 : i32
    %scan3A_28 = arith.constant 0 : i32
    %scan3A_29 = arith.constant 16 : i32
    %scan3A_30 = arith.addi %scan3A_28, %scan3A_29 : i32
    %scan3A_31 = arith.constant 1 : i32
    %scan3A_32 = scf.for %scan3A_61 = %scan3A_28 to %scan3A_30 step %scan3A_31 iter_args(%scan3A_62 = %scan3A_27) -> (i32)  : i32 {
      %mul3A_63 = arith.constant 16 : i32
      %mul3A_64 = arith.muli %scan3A_61, %mul3A_63 : i32
      %add3A_65 = arith.constant 0 : i32
      %add3A_66 = arith.addi %add3A_65, %mul3A_64 : i32
      %mul3A_67 = arith.constant 16 : i32
      %mul3A_68 = arith.muli %scan3A_61, %mul3A_67 : i32
      %add3A_69 = vector.broadcast %mul3A_68 : i32 to vector<16xi32>
      %add3A_70 = arith.addi %add3A_69, %iota3A : vector<16xi32>
      %get3A = arith.index_cast %add3A_66 : i32 to index
      %get3A_71 = tpu.vector_load %arg7[%get3A] {strides = array<i32>} : memref<512xi32, #tpu.memory_space<vmem>>, vector<16xi32>,
      %and3A = arith.constant 7 : i32
      %and3A_72 = vector.broadcast %and3A : i32 to vector<16xi32>
      %and3A_73 = arith.andi %get3A_71, %and3A_72 : vector<16xi32>
      %shift_left3A = arith.constant 4 : i32
      %shift_left3A_74 = vector.broadcast %shift_left3A : i32 to vector<16xi32>
      %shift_left3A_75 = arith.shli %and3A_73, %shift_left3A_74 : vector<16xi32>
      %get3A_76 = arith.index_cast %add3A_66 : i32 to index
      %get3A_77 = tpu.vector_load %arg8[%get3A_76] {strides = array<i32>} : memref<512xi32, #tpu.memory_space<vmem>>, vector<16xi32>,
      %and3A_78 = arith.constant 7 : i32
      %and3A_79 = vector.broadcast %and3A_78 : i32 to vector<16xi32>
      %and3A_80 = arith.andi %get3A_77, %and3A_79 : vector<16xi32>
      %shift_left3A_81 = arith.constant 4 : i32
      %shift_left3A_82 = vector.broadcast %shift_left3A_81 : i32 to vector<16xi32>
      %shift_left3A_83 = arith.shli %and3A_80, %shift_left3A_82 : vector<16xi32>
      %broadcast_in_dim3A = arith.constant 0.000000e+00 : f32
      %broadcast_in_dim3A_84 = vector.broadcast %broadcast_in_dim3A : f32 to vector<16xf32>
      %add3A_85 = arith.constant 0 : i32
      %add3A_86 = vector.broadcast %add3A_85 : i32 to vector<16xi32>
      %add3A_87 = arith.addi %shift_left3A_75, %add3A_86 : vector<16xi32>
      %gather3A = tpu.vector_load_idx %arg11[%add3A_70, %add3A_87] : memref<256x128xf32, #tpu.memory_space<vmem>>[vector<16xi32>, vector<16xi32>], vector<16xf32>,
      %add3A_88 = arith.constant 0 : i32
      %add3A_89 = vector.broadcast %add3A_88 : i32 to vector<16xi32>
      %add3A_90 = arith.addi %shift_left3A_83, %add3A_89 : vector<16xi32>
      %gather3A_91 = tpu.vector_load_idx %arg12[%add3A_70, %add3A_90] : memref<256x128xf32, #tpu.memory_space<vmem>>[vector<16xi32>, vector<16xi32>], vector<16xf32>,
      %mul3A_92 = arith.mulf %gather3A, %gather3A_91 : vector<16xf32>
      %add3A_93 = arith.addf %broadcast_in_dim3A_84, %mul3A_92 : vector<16xf32>
      %add3A_94 = arith.constant 1 : i32
      %add3A_95 = vector.broadcast %add3A_94 : i32 to vector<16xi32>
      %add3A_96 = arith.addi %shift_left3A_75, %add3A_95 : vector<16xi32>
      %gather3A_97 = tpu.vector_load_idx %arg11[%add3A_70, %add3A_96] : memref<256x128xf32, #tpu.memory_space<vmem>>[vector<16xi32>, vector<16xi32>], vector<16xf32>,
      %add3A_98 = arith.constant 1 : i32
      %add3A_99 = vector.broadcast %add3A_98 : i32 to vector<16xi32>
      %add3A_100 = arith.addi %shift_left3A_83, %add3A_99 : vector<16xi32>
      %gather3A_101 = tpu.vector_load_idx %arg12[%add3A_70, %add3A_100] : memref<256x128xf32, #tpu.memory_space<vmem>>[vector<16xi32>, vector<16xi32>], vector<16xf32>,
      %mul3A_102 = arith.mulf %gather3A_97, %gather3A_101 : vector<16xf32>
      %add3A_103 = arith.addf %add3A_93, %mul3A_102 : vector<16xf32>
      %add3A_104 = arith.constant 2 : i32
      %add3A_105 = vector.broadcast %add3A_104 : i32 to vector<16xi32>
      %add3A_106 = arith.addi %shift_left3A_75, %add3A_105 : vector<16xi32>
      %gather3A_107 = tpu.vector_load_idx %arg11[%add3A_70, %add3A_106] : memref<256x128xf32, #tpu.memory_space<vmem>>[vector<16xi32>, vector<16xi32>], vector<16xf32>,
      %add3A_108 = arith.constant 2 : i32
      %add3A_109 = vector.broadcast %add3A_108 : i32 to vector<16xi32>
      %add3A_110 = arith.addi %shift_left3A_83, %add3A_109 : vector<16xi32>
      %gather3A_111 = tpu.vector_load_idx %arg12[%add3A_70, %add3A_110] : memref<256x128xf32, #tpu.memory_space<vmem>>[vector<16xi32>, vector<16xi32>], vector<16xf32>,
      %mul3A_112 = arith.mulf %gather3A_107, %gather3A_111 : vector<16xf32>
      %add3A_113 = arith.addf %add3A_103, %mul3A_112 : vector<16xf32>
      %add3A_114 = arith.constant 3 : i32
      %add3A_115 = vector.broadcast %add3A_114 : i32 to vector<16xi32>
      %add3A_116 = arith.addi %shift_left3A_75, %add3A_115 : vector<16xi32>
      %gather3A_117 = tpu.vector_load_idx %arg11[%add3A_70, %add3A_116] : memref<256x128xf32, #tpu.memory_space<vmem>>[vector<16xi32>, vector<16xi32>], vector<16xf32>,
      %add3A_118 = arith.constant 3 : i32
      %add3A_119 = vector.broadcast %add3A_118 : i32 to vector<16xi32>
      %add3A_120 = arith.addi %shift_left3A_83, %add3A_119 : vector<16xi32>
      %gather3A_121 = tpu.vector_load_idx %arg12[%add3A_70, %add3A_120] : memref<256x128xf32, #tpu.memory_space<vmem>>[vector<16xi32>, vector<16xi32>], vector<16xf32>,
      %mul3A_122 = arith.mulf %gather3A_117, %gather3A_121 : vector<16xf32>
      %add3A_123 = arith.addf %add3A_113, %mul3A_122 : vector<16xf32>
      %add3A_124 = arith.constant 4 : i32
      %add3A_125 = vector.broadcast %add3A_124 : i32 to vector<16xi32>
      %add3A_126 = arith.addi %shift_left3A_75, %add3A_125 : vector<16xi32>
      %gather3A_127 = tpu.vector_load_idx %arg11[%add3A_70, %add3A_126] : memref<256x128xf32, #tpu.memory_space<vmem>>[vector<16xi32>, vector<16xi32>], vector<16xf32>,
      %add3A_128 = arith.constant 4 : i32
      %add3A_129 = vector.broadcast %add3A_128 : i32 to vector<16xi32>
      %add3A_130 = arith.addi %shift_left3A_83, %add3A_129 : vector<16xi32>
      %gather3A_131 = tpu.vector_load_idx %arg12[%add3A_70, %add3A_130] : memref<256x128xf32, #tpu.memory_space<vmem>>[vector<16xi32>, vector<16xi32>], vector<16xf32>,
      %mul3A_132 = arith.mulf %gather3A_127, %gather3A_131 : vector<16xf32>
      %add3A_133 = arith.addf %add3A_123, %mul3A_132 : vector<16xf32>
      %add3A_134 = arith.constant 5 : i32
      %add3A_135 = vector.broadcast %add3A_134 : i32 to vector<16xi32>
      %add3A_136 = arith.addi %shift_left3A_75, %add3A_135 : vector<16xi32>
      %gather3A_137 = tpu.vector_load_idx %arg11[%add3A_70, %add3A_136] : memref<256x128xf32, #tpu.memory_space<vmem>>[vector<16xi32>, vector<16xi32>], vector<16xf32>,
      %add3A_138 = arith.constant 5 : i32
      %add3A_139 = vector.broadcast %add3A_138 : i32 to vector<16xi32>
      %add3A_140 = arith.addi %shift_left3A_83, %add3A_139 : vector<16xi32>
      %gather3A_141 = tpu.vector_load_idx %arg12[%add3A_70, %add3A_140] : memref<256x128xf32, #tpu.memory_space<vmem>>[vector<16xi32>, vector<16xi32>], vector<16xf32>,
      %mul3A_142 = arith.mulf %gather3A_137, %gather3A_141 : vector<16xf32>
      %add3A_143 = arith.addf %add3A_133, %mul3A_142 : vector<16xf32>
      %add3A_144 = arith.constant 6 : i32
      %add3A_145 = vector.broadcast %add3A_144 : i32 to vector<16xi32>
      %add3A_146 = arith.addi %shift_left3A_75, %add3A_145 : vector<16xi32>
      %gather3A_147 = tpu.vector_load_idx %arg11[%add3A_70, %add3A_146] : memref<256x128xf32, #tpu.memory_space<vmem>>[vector<16xi32>, vector<16xi32>], vector<16xf32>,
      %add3A_148 = arith.constant 6 : i32
      %add3A_149 = vector.broadcast %add3A_148 : i32 to vector<16xi32>
      %add3A_150 = arith.addi %shift_left3A_83, %add3A_149 : vector<16xi32>
      %gather3A_151 = tpu.vector_load_idx %arg12[%add3A_70, %add3A_150] : memref<256x128xf32, #tpu.memory_space<vmem>>[vector<16xi32>, vector<16xi32>], vector<16xf32>,
      %mul3A_152 = arith.mulf %gather3A_147, %gather3A_151 : vector<16xf32>
      %add3A_153 = arith.addf %add3A_143, %mul3A_152 : vector<16xf32>
      %add3A_154 = arith.constant 7 : i32
      %add3A_155 = vector.broadcast %add3A_154 : i32 to vector<16xi32>
      %add3A_156 = arith.addi %shift_left3A_75, %add3A_155 : vector<16xi32>
      %gather3A_157 = tpu.vector_load_idx %arg11[%add3A_70, %add3A_156] : memref<256x128xf32, #tpu.memory_space<vmem>>[vector<16xi32>, vector<16xi32>], vector<16xf32>,
      %add3A_158 = arith.constant 7 : i32
      %add3A_159 = vector.broadcast %add3A_158 : i32 to vector<16xi32>
      %add3A_160 = arith.addi %shift_left3A_83, %add3A_159 : vector<16xi32>
      %gather3A_161 = tpu.vector_load_idx %arg12[%add3A_70, %add3A_160] : memref<256x128xf32, #tpu.memory_space<vmem>>[vector<16xi32>, vector<16xi32>], vector<16xf32>,
      %mul3A_162 = arith.mulf %gather3A_157, %gather3A_161 : vector<16xf32>
      %add3A_163 = arith.addf %add3A_153, %mul3A_162 : vector<16xf32>
      %add3A_164 = arith.constant 8 : i32
      %add3A_165 = vector.broadcast %add3A_164 : i32 to vector<16xi32>
      %add3A_166 = arith.addi %shift_left3A_75, %add3A_165 : vector<16xi32>
      %gather3A_167 = tpu.vector_load_idx %arg11[%add3A_70, %add3A_166] : memref<256x128xf32, #tpu.memory_space<vmem>>[vector<16xi32>, vector<16xi32>], vector<16xf32>,
      %add3A_168 = arith.constant 8 : i32
      %add3A_169 = vector.broadcast %add3A_168 : i32 to vector<16xi32>
      %add3A_170 = arith.addi %shift_left3A_83, %add3A_169 : vector<16xi32>
      %gather3A_171 = tpu.vector_load_idx %arg12[%add3A_70, %add3A_170] : memref<256x128xf32, #tpu.memory_space<vmem>>[vector<16xi32>, vector<16xi32>], vector<16xf32>,
      %mul3A_172 = arith.mulf %gather3A_167, %gather3A_171 : vector<16xf32>
      %add3A_173 = arith.addf %add3A_163, %mul3A_172 : vector<16xf32>
      %add3A_174 = arith.constant 9 : i32
      %add3A_175 = vector.broadcast %add3A_174 : i32 to vector<16xi32>
      %add3A_176 = arith.addi %shift_left3A_75, %add3A_175 : vector<16xi32>
      %gather3A_177 = tpu.vector_load_idx %arg11[%add3A_70, %add3A_176] : memref<256x128xf32, #tpu.memory_space<vmem>>[vector<16xi32>, vector<16xi32>], vector<16xf32>,
      %add3A_178 = arith.constant 9 : i32
      %add3A_179 = vector.broadcast %add3A_178 : i32 to vector<16xi32>
      %add3A_180 = arith.addi %shift_left3A_83, %add3A_179 : vector<16xi32>
      %gather3A_181 = tpu.vector_load_idx %arg12[%add3A_70, %add3A_180] : memref<256x128xf32, #tpu.memory_space<vmem>>[vector<16xi32>, vector<16xi32>], vector<16xf32>,
      %mul3A_182 = arith.mulf %gather3A_177, %gather3A_181 : vector<16xf32>
      %add3A_183 = arith.addf %add3A_173, %mul3A_182 : vector<16xf32>
      %add3A_184 = arith.constant 10 : i32
      %add3A_185 = vector.broadcast %add3A_184 : i32 to vector<16xi32>
      %add3A_186 = arith.addi %shift_left3A_75, %add3A_185 : vector<16xi32>
      %gather3A_187 = tpu.vector_load_idx %arg11[%add3A_70, %add3A_186] : memref<256x128xf32, #tpu.memory_space<vmem>>[vector<16xi32>, vector<16xi32>], vector<16xf32>,
      %add3A_188 = arith.constant 10 : i32
      %add3A_189 = vector.broadcast %add3A_188 : i32 to vector<16xi32>
      %add3A_190 = arith.addi %shift_left3A_83, %add3A_189 : vector<16xi32>
      %gather3A_191 = tpu.vector_load_idx %arg12[%add3A_70, %add3A_190] : memref<256x128xf32, #tpu.memory_space<vmem>>[vector<16xi32>, vector<16xi32>], vector<16xf32>,
      %mul3A_192 = arith.mulf %gather3A_187, %gather3A_191 : vector<16xf32>
      %add3A_193 = arith.addf %add3A_183, %mul3A_192 : vector<16xf32>
      %add3A_194 = arith.constant 11 : i32
      %add3A_195 = vector.broadcast %add3A_194 : i32 to vector<16xi32>
      %add3A_196 = arith.addi %shift_left3A_75, %add3A_195 : vector<16xi32>
      %gather3A_197 = tpu.vector_load_idx %arg11[%add3A_70, %add3A_196] : memref<256x128xf32, #tpu.memory_space<vmem>>[vector<16xi32>, vector<16xi32>], vector<16xf32>,
      %add3A_198 = arith.constant 11 : i32
      %add3A_199 = vector.broadcast %add3A_198 : i32 to vector<16xi32>
      %add3A_200 = arith.addi %shift_left3A_83, %add3A_199 : vector<16xi32>
      %gather3A_201 = tpu.vector_load_idx %arg12[%add3A_70, %add3A_200] : memref<256x128xf32, #tpu.memory_space<vmem>>[vector<16xi32>, vector<16xi32>], vector<16xf32>,
      %mul3A_202 = arith.mulf %gather3A_197, %gather3A_201 : vector<16xf32>
      %add3A_203 = arith.addf %add3A_193, %mul3A_202 : vector<16xf32>
      %add3A_204 = arith.constant 12 : i32
      %add3A_205 = vector.broadcast %add3A_204 : i32 to vector<16xi32>
      %add3A_206 = arith.addi %shift_left3A_75, %add3A_205 : vector<16xi32>
      %gather3A_207 = tpu.vector_load_idx %arg11[%add3A_70, %add3A_206] : memref<256x128xf32, #tpu.memory_space<vmem>>[vector<16xi32>, vector<16xi32>], vector<16xf32>,
      %add3A_208 = arith.constant 12 : i32
      %add3A_209 = vector.broadcast %add3A_208 : i32 to vector<16xi32>
      %add3A_210 = arith.addi %shift_left3A_83, %add3A_209 : vector<16xi32>
      %gather3A_211 = tpu.vector_load_idx %arg12[%add3A_70, %add3A_210] : memref<256x128xf32, #tpu.memory_space<vmem>>[vector<16xi32>, vector<16xi32>], vector<16xf32>,
      %mul3A_212 = arith.mulf %gather3A_207, %gather3A_211 : vector<16xf32>
      %add3A_213 = arith.addf %add3A_203, %mul3A_212 : vector<16xf32>
      %add3A_214 = arith.constant 13 : i32
      %add3A_215 = vector.broadcast %add3A_214 : i32 to vector<16xi32>
      %add3A_216 = arith.addi %shift_left3A_75, %add3A_215 : vector<16xi32>
      %gather3A_217 = tpu.vector_load_idx %arg11[%add3A_70, %add3A_216] : memref<256x128xf32, #tpu.memory_space<vmem>>[vector<16xi32>, vector<16xi32>], vector<16xf32>,
      %add3A_218 = arith.constant 13 : i32
      %add3A_219 = vector.broadcast %add3A_218 : i32 to vector<16xi32>
      %add3A_220 = arith.addi %shift_left3A_83, %add3A_219 : vector<16xi32>
      %gather3A_221 = tpu.vector_load_idx %arg12[%add3A_70, %add3A_220] : memref<256x128xf32, #tpu.memory_space<vmem>>[vector<16xi32>, vector<16xi32>], vector<16xf32>,
      %mul3A_222 = arith.mulf %gather3A_217, %gather3A_221 : vector<16xf32>
      %add3A_223 = arith.addf %add3A_213, %mul3A_222 : vector<16xf32>
      %add3A_224 = arith.constant 14 : i32
      %add3A_225 = vector.broadcast %add3A_224 : i32 to vector<16xi32>
      %add3A_226 = arith.addi %shift_left3A_75, %add3A_225 : vector<16xi32>
      %gather3A_227 = tpu.vector_load_idx %arg11[%add3A_70, %add3A_226] : memref<256x128xf32, #tpu.memory_space<vmem>>[vector<16xi32>, vector<16xi32>], vector<16xf32>,
      %add3A_228 = arith.constant 14 : i32
      %add3A_229 = vector.broadcast %add3A_228 : i32 to vector<16xi32>
      %add3A_230 = arith.addi %shift_left3A_83, %add3A_229 : vector<16xi32>
      %gather3A_231 = tpu.vector_load_idx %arg12[%add3A_70, %add3A_230] : memref<256x128xf32, #tpu.memory_space<vmem>>[vector<16xi32>, vector<16xi32>], vector<16xf32>,
      %mul3A_232 = arith.mulf %gather3A_227, %gather3A_231 : vector<16xf32>
      %add3A_233 = arith.addf %add3A_223, %mul3A_232 : vector<16xf32>
      %add3A_234 = arith.constant 15 : i32
      %add3A_235 = vector.broadcast %add3A_234 : i32 to vector<16xi32>
      %add3A_236 = arith.addi %shift_left3A_75, %add3A_235 : vector<16xi32>
      %gather3A_237 = tpu.vector_load_idx %arg11[%add3A_70, %add3A_236] : memref<256x128xf32, #tpu.memory_space<vmem>>[vector<16xi32>, vector<16xi32>], vector<16xf32>,
      %add3A_238 = arith.constant 15 : i32
      %add3A_239 = vector.broadcast %add3A_238 : i32 to vector<16xi32>
      %add3A_240 = arith.addi %shift_left3A_83, %add3A_239 : vector<16xi32>
      %gather3A_241 = tpu.vector_load_idx %arg12[%add3A_70, %add3A_240] : memref<256x128xf32, #tpu.memory_space<vmem>>[vector<16xi32>, vector<16xi32>], vector<16xf32>,
      %mul3A_242 = arith.mulf %gather3A_237, %gather3A_241 : vector<16xf32>
      %add3A_243 = arith.addf %add3A_233, %mul3A_242 : vector<16xf32>
      %neg3A = arith.constant 0.000000e+00 : f32
      %neg3A_244 = vector.broadcast %neg3A : f32 to vector<16xf32>
      %neg3A_245 = arith.subf %neg3A_244, %add3A_243 : vector<16xf32>
      %exp3A = math.exp %neg3A_245 : vector<16xf32>
      %add3A_246 = arith.constant 1.000000e+00 : f32
      %add3A_247 = vector.broadcast %add3A_246 : f32 to vector<16xf32>
      %add3A_248 = arith.addf %add3A_247, %exp3A : vector<16xf32>
      %div3A = arith.constant 1.000000e+00 : f32
      %div3A_249 = vector.broadcast %div3A : f32 to vector<16xf32>
      %div3A_250 = arith.divf %div3A_249, %add3A_248 : vector<16xf32>
      %swap3A = arith.index_cast %add3A_66 : i32 to index
      %swap3A_251 = tpu.vector_load %arg13[%swap3A] {strides = array<i32>} : memref<512xf32, #tpu.memory_space<vmem>>, vector<16xf32>,
      tpu.vector_store %arg13[%swap3A], %div3A_250 {strides = array<i32>} : memref<512xf32, #tpu.memory_space<vmem>>, vector<16xf32>,
      %scan3A_252 = arith.constant 0 : i32
      scf.yield %scan3A_252 : i32
    }
    %scan3A_33 = arith.constant 16 : i32
    %dma_start3A_34 = arith.constant 256 : i32
    %dma_start3A_35 = tpu.memref_slice %arg9[%dma_start3A_34] : memref<512xi32, #tpu.memory_space<vmem>> -> memref<256xi32, #tpu.memory_space<vmem>>
    %dma_start3A_36 = arith.constant 0 : i32
    %dma_start3A_37 = arith.constant 0 : i32
    %dma_start3A_38 = tpu.memref_slice %arg4[%dma_start3A_36, %dma_start3A_37] : memref<125000x128xf32, #tpu.memory_space<hbm>> -> memref<125000x128xf32, #tpu.memory_space<hbm>>
    tpu.enqueue_indirect_dma source(%dma_start3A_38 : memref<125000x128xf32, #tpu.memory_space<hbm>>) target(%arg11 : memref<256x128xf32, #tpu.memory_space<vmem>>) offsets(%dma_start3A_35 : memref<256xi32, #tpu.memory_space<vmem>>) semaphore(%arg14 : memref<!tpu.dma_semaphore, #tpu.memory_space<semaphore_mem>>)
    %dma_start3A_39 = arith.constant 256 : i32
    %dma_start3A_40 = tpu.memref_slice %arg10[%dma_start3A_39] : memref<512xi32, #tpu.memory_space<vmem>> -> memref<256xi32, #tpu.memory_space<vmem>>
    %dma_start3A_41 = arith.constant 0 : i32
    %dma_start3A_42 = arith.constant 0 : i32
    %dma_start3A_43 = tpu.memref_slice %arg5[%dma_start3A_41, %dma_start3A_42] : memref<125000x128xf32, #tpu.memory_space<hbm>> -> memref<125000x128xf32, #tpu.memory_space<hbm>>
    tpu.enqueue_indirect_dma source(%dma_start3A_43 : memref<125000x128xf32, #tpu.memory_space<hbm>>) target(%arg12 : memref<256x128xf32, #tpu.memory_space<vmem>>) offsets(%dma_start3A_40 : memref<256xi32, #tpu.memory_space<vmem>>) semaphore(%arg15 : memref<!tpu.dma_semaphore, #tpu.memory_space<semaphore_mem>>)
    %dma_wait3A_44 = arith.constant 256 : i32
    %dma_wait3A_45 = tpu.memref_slice %arg9[%dma_wait3A_44] : memref<512xi32, #tpu.memory_space<vmem>> -> memref<256xi32, #tpu.memory_space<vmem>>
    %dma_wait3A_46 = arith.constant 0 : i32
    %dma_wait3A_47 = arith.constant 0 : i32
    %dma_wait3A_48 = tpu.memref_slice %arg4[%dma_wait3A_46, %dma_wait3A_47] : memref<125000x128xf32, #tpu.memory_space<hbm>> -> memref<125000x128xf32, #tpu.memory_space<hbm>>
    tpu.wait_indirect_dma semaphore(%arg14 : memref<!tpu.dma_semaphore, #tpu.memory_space<semaphore_mem>>) src(%dma_wait3A_48 : memref<125000x128xf32, #tpu.memory_space<hbm>>) dst(%arg11 : memref<256x128xf32, #tpu.memory_space<vmem>>)
    %dma_wait3A_49 = arith.constant 256 : i32
    %dma_wait3A_50 = tpu.memref_slice %arg10[%dma_wait3A_49] : memref<512xi32, #tpu.memory_space<vmem>> -> memref<256xi32, #tpu.memory_space<vmem>>
    %dma_wait3A_51 = arith.constant 0 : i32
    %dma_wait3A_52 = arith.constant 0 : i32
    %dma_wait3A_53 = tpu.memref_slice %arg5[%dma_wait3A_51, %dma_wait3A_52] : memref<125000x128xf32, #tpu.memory_space<hbm>> -> memref<125000x128xf32, #tpu.memory_space<hbm>>
    tpu.wait_indirect_dma semaphore(%arg15 : memref<!tpu.dma_semaphore, #tpu.memory_space<semaphore_mem>>) src(%dma_wait3A_53 : memref<125000x128xf32, #tpu.memory_space<hbm>>) dst(%arg12 : memref<256x128xf32, #tpu.memory_space<vmem>>)
    %scan3A_54 = arith.constant 0 : i32
    %scan3A_55 = arith.constant 0 : i32
    %scan3A_56 = arith.constant 16 : i32
    %scan3A_57 = arith.addi %scan3A_55, %scan3A_56 : i32
    %scan3A_58 = arith.constant 1 : i32
    %scan3A_59 = scf.for %scan3A_61 = %scan3A_55 to %scan3A_57 step %scan3A_58 iter_args(%scan3A_62 = %scan3A_54) -> (i32)  : i32 {
      %mul3A_63 = arith.constant 16 : i32
      %mul3A_64 = arith.muli %scan3A_61, %mul3A_63 : i32
      %add3A_65 = arith.constant 256 : i32
      %add3A_66 = arith.addi %add3A_65, %mul3A_64 : i32
      %mul3A_67 = arith.constant 16 : i32
      %mul3A_68 = arith.muli %scan3A_61, %mul3A_67 : i32
      %add3A_69 = vector.broadcast %mul3A_68 : i32 to vector<16xi32>
      %add3A_70 = arith.addi %add3A_69, %iota3A : vector<16xi32>
      %get3A = arith.index_cast %add3A_66 : i32 to index
      %get3A_71 = tpu.vector_load %arg7[%get3A] {strides = array<i32>} : memref<512xi32, #tpu.memory_space<vmem>>, vector<16xi32>,
      %and3A = arith.constant 7 : i32
      %and3A_72 = vector.broadcast %and3A : i32 to vector<16xi32>
      %and3A_73 = arith.andi %get3A_71, %and3A_72 : vector<16xi32>
      %shift_left3A = arith.constant 4 : i32
      %shift_left3A_74 = vector.broadcast %shift_left3A : i32 to vector<16xi32>
      %shift_left3A_75 = arith.shli %and3A_73, %shift_left3A_74 : vector<16xi32>
      %get3A_76 = arith.index_cast %add3A_66 : i32 to index
      %get3A_77 = tpu.vector_load %arg8[%get3A_76] {strides = array<i32>} : memref<512xi32, #tpu.memory_space<vmem>>, vector<16xi32>,
      %and3A_78 = arith.constant 7 : i32
      %and3A_79 = vector.broadcast %and3A_78 : i32 to vector<16xi32>
      %and3A_80 = arith.andi %get3A_77, %and3A_79 : vector<16xi32>
      %shift_left3A_81 = arith.constant 4 : i32
      %shift_left3A_82 = vector.broadcast %shift_left3A_81 : i32 to vector<16xi32>
      %shift_left3A_83 = arith.shli %and3A_80, %shift_left3A_82 : vector<16xi32>
      %broadcast_in_dim3A = arith.constant 0.000000e+00 : f32
      %broadcast_in_dim3A_84 = vector.broadcast %broadcast_in_dim3A : f32 to vector<16xf32>
      %add3A_85 = arith.constant 0 : i32
      %add3A_86 = vector.broadcast %add3A_85 : i32 to vector<16xi32>
      %add3A_87 = arith.addi %shift_left3A_75, %add3A_86 : vector<16xi32>
      %gather3A = tpu.vector_load_idx %arg11[%add3A_70, %add3A_87] : memref<256x128xf32, #tpu.memory_space<vmem>>[vector<16xi32>, vector<16xi32>], vector<16xf32>,
      %add3A_88 = arith.constant 0 : i32
      %add3A_89 = vector.broadcast %add3A_88 : i32 to vector<16xi32>
      %add3A_90 = arith.addi %shift_left3A_83, %add3A_89 : vector<16xi32>
      %gather3A_91 = tpu.vector_load_idx %arg12[%add3A_70, %add3A_90] : memref<256x128xf32, #tpu.memory_space<vmem>>[vector<16xi32>, vector<16xi32>], vector<16xf32>,
      %mul3A_92 = arith.mulf %gather3A, %gather3A_91 : vector<16xf32>
      %add3A_93 = arith.addf %broadcast_in_dim3A_84, %mul3A_92 : vector<16xf32>
      %add3A_94 = arith.constant 1 : i32
      %add3A_95 = vector.broadcast %add3A_94 : i32 to vector<16xi32>
      %add3A_96 = arith.addi %shift_left3A_75, %add3A_95 : vector<16xi32>
      %gather3A_97 = tpu.vector_load_idx %arg11[%add3A_70, %add3A_96] : memref<256x128xf32, #tpu.memory_space<vmem>>[vector<16xi32>, vector<16xi32>], vector<16xf32>,
      %add3A_98 = arith.constant 1 : i32
      %add3A_99 = vector.broadcast %add3A_98 : i32 to vector<16xi32>
      %add3A_100 = arith.addi %shift_left3A_83, %add3A_99 : vector<16xi32>
      %gather3A_101 = tpu.vector_load_idx %arg12[%add3A_70, %add3A_100] : memref<256x128xf32, #tpu.memory_space<vmem>>[vector<16xi32>, vector<16xi32>], vector<16xf32>,
      %mul3A_102 = arith.mulf %gather3A_97, %gather3A_101 : vector<16xf32>
      %add3A_103 = arith.addf %add3A_93, %mul3A_102 : vector<16xf32>
      %add3A_104 = arith.constant 2 : i32
      %add3A_105 = vector.broadcast %add3A_104 : i32 to vector<16xi32>
      %add3A_106 = arith.addi %shift_left3A_75, %add3A_105 : vector<16xi32>
      %gather3A_107 = tpu.vector_load_idx %arg11[%add3A_70, %add3A_106] : memref<256x128xf32, #tpu.memory_space<vmem>>[vector<16xi32>, vector<16xi32>], vector<16xf32>,
      %add3A_108 = arith.constant 2 : i32
      %add3A_109 = vector.broadcast %add3A_108 : i32 to vector<16xi32>
      %add3A_110 = arith.addi %shift_left3A_83, %add3A_109 : vector<16xi32>
      %gather3A_111 = tpu.vector_load_idx %arg12[%add3A_70, %add3A_110] : memref<256x128xf32, #tpu.memory_space<vmem>>[vector<16xi32>, vector<16xi32>], vector<16xf32>,
      %mul3A_112 = arith.mulf %gather3A_107, %gather3A_111 : vector<16xf32>
      %add3A_113 = arith.addf %add3A_103, %mul3A_112 : vector<16xf32>
      %add3A_114 = arith.constant 3 : i32
      %add3A_115 = vector.broadcast %add3A_114 : i32 to vector<16xi32>
      %add3A_116 = arith.addi %shift_left3A_75, %add3A_115 : vector<16xi32>
      %gather3A_117 = tpu.vector_load_idx %arg11[%add3A_70, %add3A_116] : memref<256x128xf32, #tpu.memory_space<vmem>>[vector<16xi32>, vector<16xi32>], vector<16xf32>,
      %add3A_118 = arith.constant 3 : i32
      %add3A_119 = vector.broadcast %add3A_118 : i32 to vector<16xi32>
      %add3A_120 = arith.addi %shift_left3A_83, %add3A_119 : vector<16xi32>
      %gather3A_121 = tpu.vector_load_idx %arg12[%add3A_70, %add3A_120] : memref<256x128xf32, #tpu.memory_space<vmem>>[vector<16xi32>, vector<16xi32>], vector<16xf32>,
      %mul3A_122 = arith.mulf %gather3A_117, %gather3A_121 : vector<16xf32>
      %add3A_123 = arith.addf %add3A_113, %mul3A_122 : vector<16xf32>
      %add3A_124 = arith.constant 4 : i32
      %add3A_125 = vector.broadcast %add3A_124 : i32 to vector<16xi32>
      %add3A_126 = arith.addi %shift_left3A_75, %add3A_125 : vector<16xi32>
      %gather3A_127 = tpu.vector_load_idx %arg11[%add3A_70, %add3A_126] : memref<256x128xf32, #tpu.memory_space<vmem>>[vector<16xi32>, vector<16xi32>], vector<16xf32>,
      %add3A_128 = arith.constant 4 : i32
      %add3A_129 = vector.broadcast %add3A_128 : i32 to vector<16xi32>
      %add3A_130 = arith.addi %shift_left3A_83, %add3A_129 : vector<16xi32>
      %gather3A_131 = tpu.vector_load_idx %arg12[%add3A_70, %add3A_130] : memref<256x128xf32, #tpu.memory_space<vmem>>[vector<16xi32>, vector<16xi32>], vector<16xf32>,
      %mul3A_132 = arith.mulf %gather3A_127, %gather3A_131 : vector<16xf32>
      %add3A_133 = arith.addf %add3A_123, %mul3A_132 : vector<16xf32>
      %add3A_134 = arith.constant 5 : i32
      %add3A_135 = vector.broadcast %add3A_134 : i32 to vector<16xi32>
      %add3A_136 = arith.addi %shift_left3A_75, %add3A_135 : vector<16xi32>
      %gather3A_137 = tpu.vector_load_idx %arg11[%add3A_70, %add3A_136] : memref<256x128xf32, #tpu.memory_space<vmem>>[vector<16xi32>, vector<16xi32>], vector<16xf32>,
      %add3A_138 = arith.constant 5 : i32
      %add3A_139 = vector.broadcast %add3A_138 : i32 to vector<16xi32>
      %add3A_140 = arith.addi %shift_left3A_83, %add3A_139 : vector<16xi32>
      %gather3A_141 = tpu.vector_load_idx %arg12[%add3A_70, %add3A_140] : memref<256x128xf32, #tpu.memory_space<vmem>>[vector<16xi32>, vector<16xi32>], vector<16xf32>,
      %mul3A_142 = arith.mulf %gather3A_137, %gather3A_141 : vector<16xf32>
      %add3A_143 = arith.addf %add3A_133, %mul3A_142 : vector<16xf32>
      %add3A_144 = arith.constant 6 : i32
      %add3A_145 = vector.broadcast %add3A_144 : i32 to vector<16xi32>
      %add3A_146 = arith.addi %shift_left3A_75, %add3A_145 : vector<16xi32>
      %gather3A_147 = tpu.vector_load_idx %arg11[%add3A_70, %add3A_146] : memref<256x128xf32, #tpu.memory_space<vmem>>[vector<16xi32>, vector<16xi32>], vector<16xf32>,
      %add3A_148 = arith.constant 6 : i32
      %add3A_149 = vector.broadcast %add3A_148 : i32 to vector<16xi32>
      %add3A_150 = arith.addi %shift_left3A_83, %add3A_149 : vector<16xi32>
      %gather3A_151 = tpu.vector_load_idx %arg12[%add3A_70, %add3A_150] : memref<256x128xf32, #tpu.memory_space<vmem>>[vector<16xi32>, vector<16xi32>], vector<16xf32>,
      %mul3A_152 = arith.mulf %gather3A_147, %gather3A_151 : vector<16xf32>
      %add3A_153 = arith.addf %add3A_143, %mul3A_152 : vector<16xf32>
      %add3A_154 = arith.constant 7 : i32
      %add3A_155 = vector.broadcast %add3A_154 : i32 to vector<16xi32>
      %add3A_156 = arith.addi %shift_left3A_75, %add3A_155 : vector<16xi32>
      %gather3A_157 = tpu.vector_load_idx %arg11[%add3A_70, %add3A_156] : memref<256x128xf32, #tpu.memory_space<vmem>>[vector<16xi32>, vector<16xi32>], vector<16xf32>,
      %add3A_158 = arith.constant 7 : i32
      %add3A_159 = vector.broadcast %add3A_158 : i32 to vector<16xi32>
      %add3A_160 = arith.addi %shift_left3A_83, %add3A_159 : vector<16xi32>
      %gather3A_161 = tpu.vector_load_idx %arg12[%add3A_70, %add3A_160] : memref<256x128xf32, #tpu.memory_space<vmem>>[vector<16xi32>, vector<16xi32>], vector<16xf32>,
      %mul3A_162 = arith.mulf %gather3A_157, %gather3A_161 : vector<16xf32>
      %add3A_163 = arith.addf %add3A_153, %mul3A_162 : vector<16xf32>
      %add3A_164 = arith.constant 8 : i32
      %add3A_165 = vector.broadcast %add3A_164 : i32 to vector<16xi32>
      %add3A_166 = arith.addi %shift_left3A_75, %add3A_165 : vector<16xi32>
      %gather3A_167 = tpu.vector_load_idx %arg11[%add3A_70, %add3A_166] : memref<256x128xf32, #tpu.memory_space<vmem>>[vector<16xi32>, vector<16xi32>], vector<16xf32>,
      %add3A_168 = arith.constant 8 : i32
      %add3A_169 = vector.broadcast %add3A_168 : i32 to vector<16xi32>
      %add3A_170 = arith.addi %shift_left3A_83, %add3A_169 : vector<16xi32>
      %gather3A_171 = tpu.vector_load_idx %arg12[%add3A_70, %add3A_170] : memref<256x128xf32, #tpu.memory_space<vmem>>[vector<16xi32>, vector<16xi32>], vector<16xf32>,
      %mul3A_172 = arith.mulf %gather3A_167, %gather3A_171 : vector<16xf32>
      %add3A_173 = arith.addf %add3A_163, %mul3A_172 : vector<16xf32>
      %add3A_174 = arith.constant 9 : i32
      %add3A_175 = vector.broadcast %add3A_174 : i32 to vector<16xi32>
      %add3A_176 = arith.addi %shift_left3A_75, %add3A_175 : vector<16xi32>
      %gather3A_177 = tpu.vector_load_idx %arg11[%add3A_70, %add3A_176] : memref<256x128xf32, #tpu.memory_space<vmem>>[vector<16xi32>, vector<16xi32>], vector<16xf32>,
      %add3A_178 = arith.constant 9 : i32
      %add3A_179 = vector.broadcast %add3A_178 : i32 to vector<16xi32>
      %add3A_180 = arith.addi %shift_left3A_83, %add3A_179 : vector<16xi32>
      %gather3A_181 = tpu.vector_load_idx %arg12[%add3A_70, %add3A_180] : memref<256x128xf32, #tpu.memory_space<vmem>>[vector<16xi32>, vector<16xi32>], vector<16xf32>,
      %mul3A_182 = arith.mulf %gather3A_177, %gather3A_181 : vector<16xf32>
      %add3A_183 = arith.addf %add3A_173, %mul3A_182 : vector<16xf32>
      %add3A_184 = arith.constant 10 : i32
      %add3A_185 = vector.broadcast %add3A_184 : i32 to vector<16xi32>
      %add3A_186 = arith.addi %shift_left3A_75, %add3A_185 : vector<16xi32>
      %gather3A_187 = tpu.vector_load_idx %arg11[%add3A_70, %add3A_186] : memref<256x128xf32, #tpu.memory_space<vmem>>[vector<16xi32>, vector<16xi32>], vector<16xf32>,
      %add3A_188 = arith.constant 10 : i32
      %add3A_189 = vector.broadcast %add3A_188 : i32 to vector<16xi32>
      %add3A_190 = arith.addi %shift_left3A_83, %add3A_189 : vector<16xi32>
      %gather3A_191 = tpu.vector_load_idx %arg12[%add3A_70, %add3A_190] : memref<256x128xf32, #tpu.memory_space<vmem>>[vector<16xi32>, vector<16xi32>], vector<16xf32>,
      %mul3A_192 = arith.mulf %gather3A_187, %gather3A_191 : vector<16xf32>
      %add3A_193 = arith.addf %add3A_183, %mul3A_192 : vector<16xf32>
      %add3A_194 = arith.constant 11 : i32
      %add3A_195 = vector.broadcast %add3A_194 : i32 to vector<16xi32>
      %add3A_196 = arith.addi %shift_left3A_75, %add3A_195 : vector<16xi32>
      %gather3A_197 = tpu.vector_load_idx %arg11[%add3A_70, %add3A_196] : memref<256x128xf32, #tpu.memory_space<vmem>>[vector<16xi32>, vector<16xi32>], vector<16xf32>,
      %add3A_198 = arith.constant 11 : i32
      %add3A_199 = vector.broadcast %add3A_198 : i32 to vector<16xi32>
      %add3A_200 = arith.addi %shift_left3A_83, %add3A_199 : vector<16xi32>
      %gather3A_201 = tpu.vector_load_idx %arg12[%add3A_70, %add3A_200] : memref<256x128xf32, #tpu.memory_space<vmem>>[vector<16xi32>, vector<16xi32>], vector<16xf32>,
      %mul3A_202 = arith.mulf %gather3A_197, %gather3A_201 : vector<16xf32>
      %add3A_203 = arith.addf %add3A_193, %mul3A_202 : vector<16xf32>
      %add3A_204 = arith.constant 12 : i32
      %add3A_205 = vector.broadcast %add3A_204 : i32 to vector<16xi32>
      %add3A_206 = arith.addi %shift_left3A_75, %add3A_205 : vector<16xi32>
      %gather3A_207 = tpu.vector_load_idx %arg11[%add3A_70, %add3A_206] : memref<256x128xf32, #tpu.memory_space<vmem>>[vector<16xi32>, vector<16xi32>], vector<16xf32>,
      %add3A_208 = arith.constant 12 : i32
      %add3A_209 = vector.broadcast %add3A_208 : i32 to vector<16xi32>
      %add3A_210 = arith.addi %shift_left3A_83, %add3A_209 : vector<16xi32>
      %gather3A_211 = tpu.vector_load_idx %arg12[%add3A_70, %add3A_210] : memref<256x128xf32, #tpu.memory_space<vmem>>[vector<16xi32>, vector<16xi32>], vector<16xf32>,
      %mul3A_212 = arith.mulf %gather3A_207, %gather3A_211 : vector<16xf32>
      %add3A_213 = arith.addf %add3A_203, %mul3A_212 : vector<16xf32>
      %add3A_214 = arith.constant 13 : i32
      %add3A_215 = vector.broadcast %add3A_214 : i32 to vector<16xi32>
      %add3A_216 = arith.addi %shift_left3A_75, %add3A_215 : vector<16xi32>
      %gather3A_217 = tpu.vector_load_idx %arg11[%add3A_70, %add3A_216] : memref<256x128xf32, #tpu.memory_space<vmem>>[vector<16xi32>, vector<16xi32>], vector<16xf32>,
      %add3A_218 = arith.constant 13 : i32
      %add3A_219 = vector.broadcast %add3A_218 : i32 to vector<16xi32>
      %add3A_220 = arith.addi %shift_left3A_83, %add3A_219 : vector<16xi32>
      %gather3A_221 = tpu.vector_load_idx %arg12[%add3A_70, %add3A_220] : memref<256x128xf32, #tpu.memory_space<vmem>>[vector<16xi32>, vector<16xi32>], vector<16xf32>,
      %mul3A_222 = arith.mulf %gather3A_217, %gather3A_221 : vector<16xf32>
      %add3A_223 = arith.addf %add3A_213, %mul3A_222 : vector<16xf32>
      %add3A_224 = arith.constant 14 : i32
      %add3A_225 = vector.broadcast %add3A_224 : i32 to vector<16xi32>
      %add3A_226 = arith.addi %shift_left3A_75, %add3A_225 : vector<16xi32>
      %gather3A_227 = tpu.vector_load_idx %arg11[%add3A_70, %add3A_226] : memref<256x128xf32, #tpu.memory_space<vmem>>[vector<16xi32>, vector<16xi32>], vector<16xf32>,
      %add3A_228 = arith.constant 14 : i32
      %add3A_229 = vector.broadcast %add3A_228 : i32 to vector<16xi32>
      %add3A_230 = arith.addi %shift_left3A_83, %add3A_229 : vector<16xi32>
      %gather3A_231 = tpu.vector_load_idx %arg12[%add3A_70, %add3A_230] : memref<256x128xf32, #tpu.memory_space<vmem>>[vector<16xi32>, vector<16xi32>], vector<16xf32>,
      %mul3A_232 = arith.mulf %gather3A_227, %gather3A_231 : vector<16xf32>
      %add3A_233 = arith.addf %add3A_223, %mul3A_232 : vector<16xf32>
      %add3A_234 = arith.constant 15 : i32
      %add3A_235 = vector.broadcast %add3A_234 : i32 to vector<16xi32>
      %add3A_236 = arith.addi %shift_left3A_75, %add3A_235 : vector<16xi32>
      %gather3A_237 = tpu.vector_load_idx %arg11[%add3A_70, %add3A_236] : memref<256x128xf32, #tpu.memory_space<vmem>>[vector<16xi32>, vector<16xi32>], vector<16xf32>,
      %add3A_238 = arith.constant 15 : i32
      %add3A_239 = vector.broadcast %add3A_238 : i32 to vector<16xi32>
      %add3A_240 = arith.addi %shift_left3A_83, %add3A_239 : vector<16xi32>
      %gather3A_241 = tpu.vector_load_idx %arg12[%add3A_70, %add3A_240] : memref<256x128xf32, #tpu.memory_space<vmem>>[vector<16xi32>, vector<16xi32>], vector<16xf32>,
      %mul3A_242 = arith.mulf %gather3A_237, %gather3A_241 : vector<16xf32>
      %add3A_243 = arith.addf %add3A_233, %mul3A_242 : vector<16xf32>
      %neg3A = arith.constant 0.000000e+00 : f32
      %neg3A_244 = vector.broadcast %neg3A : f32 to vector<16xf32>
      %neg3A_245 = arith.subf %neg3A_244, %add3A_243 : vector<16xf32>
      %exp3A = math.exp %neg3A_245 : vector<16xf32>
      %add3A_246 = arith.constant 1.000000e+00 : f32
      %add3A_247 = vector.broadcast %add3A_246 : f32 to vector<16xf32>
      %add3A_248 = arith.addf %add3A_247, %exp3A : vector<16xf32>
      %div3A = arith.constant 1.000000e+00 : f32
      %div3A_249 = vector.broadcast %div3A : f32 to vector<16xf32>
      %div3A_250 = arith.divf %div3A_249, %add3A_248 : vector<16xf32>
      %swap3A = arith.index_cast %add3A_66 : i32 to index
      %swap3A_251 = tpu.vector_load %arg13[%swap3A] {strides = array<i32>} : memref<512xf32, #tpu.memory_space<vmem>>, vector<16xf32>,
      tpu.vector_store %arg13[%swap3A], %div3A_250 {strides = array<i32>} : memref<512xf32, #tpu.memory_space<vmem>>, vector<16xf32>,
      %scan3A_252 = arith.constant 0 : i32
      scf.yield %scan3A_252 : i32
    }
    %scan3A_60 = arith.constant 16 : i32
    "tpu.region"() ({
      %run_scoped3A = tpu.sem_alloc : memref<!tpu.dma_semaphore, #tpu.memory_space<semaphore_mem>>
      %dma_start3A_61 = tpu.memref_slice %arg6[%mul3A_2] : memref<16384xf32, #tpu.memory_space<hbm>> -> memref<512xf32, #tpu.memory_space<hbm>>
      %dma_start3A_62 = tpu.memref_slice %arg6[%mul3A_2] : memref<16384xf32, #tpu.memory_space<hbm>> -> memref<512xf32, #tpu.memory_space<hbm>>
      tpu.enqueue_dma source(%arg13 : memref<512xf32, #tpu.memory_space<vmem>>) target(%dma_start3A_62 : memref<512xf32, #tpu.memory_space<hbm>>) target_semaphore(%run_scoped3A : memref<!tpu.dma_semaphore, #tpu.memory_space<semaphore_mem>>)
      %dma_wait3A_63 = tpu.memref_slice %arg6[%mul3A_2] : memref<16384xf32, #tpu.memory_space<hbm>> -> memref<512xf32, #tpu.memory_space<hbm>>
      %dma_wait3A_64 = tpu.memref_slice %arg6[%mul3A_2] : memref<16384xf32, #tpu.memory_space<hbm>> -> memref<512xf32, #tpu.memory_space<hbm>>
      tpu.wait_dma2 semaphore(%run_scoped3A : memref<!tpu.dma_semaphore, #tpu.memory_space<semaphore_mem>>) src(%arg13 : memref<512xf32, #tpu.memory_space<vmem>>) dst(%dma_wait3A_64 : memref<512xf32, #tpu.memory_space<hbm>>)
      tpu.yield
    }) : () -> ()
    return
  }
}

</mosaic_0001>

<sc_bundles>
// kernel: kernel.3.cloned.1.call-start
scs
__scs_entry_jumppad:
0x0: {  	(pc) =	sbr.rel $0x88, $3  }
0x1: {  	(tag) =	ssettag $0x0;
	lr =	simm.s32 $0x1  }
0x2: {  	[smem:$0x3F9E] =	sst lr;
	_ =	strace $0xD0000000  }
0x3: {  	_ = 	snop  }
0x4: {  	_ = 	snop  }
0x5: {  	_ = 	snop  }
0x6: {  	_ = 	snop  }
0x7: {  	_ = 	snop  }
__scs_overlays_trampoline_lowered:
0x8: {  	[smem:$0x3FAD] =	sst s0  }
0x9: {  	[smem:$0x3FAE] =	sst s1  }
0xa: {  	[smem:$0x3FAF] =	sst s2  }
0xb: {  	[smem:$0x3FB0] =	sst s3  }
0xc: {  	[smem:$0x3FB1] =	sst s4  }
0xd: {  	[smem:$0x3FB2] =	sst s5  }
0xe: {  	[smem:$0x3FB3] =	sst s6  }
0xf: {  	[smem:$0x3FB4] =	sst s7  }
0x10: {  	[smem:$0x3FB5] =	sst s8  }
0x11: {  	[smem:$0x3FB6] =	sst s9;
	s0 =	simm.s32 @!p0 $0x0  }
0x12: {  	s1 =	sld [smem:$0x3F9C];
	s0 =	simm.s32 @p0 $0x1  }
0x13: {  	[smem:$0x3FB7] =	sst s0;
	s0 =	simm.s32 @!p1 $0x0  }
0x14: {  	s2 =	sld [smem:$0x3F9B];
	s0 =	simm.s32 @p1 $0x1  }
0x15: {  	[smem:$0x3FB8] =	sst s0;
	s0 =	simm.s32 @!p2 $0x0  }
0x16: {  	s3 =	sld [smem:$0x3FDB];
	s0 =	simm.s32 @p2 $0x1  }
0x17: {  	s4 =	simm.s32 $0x1BF5;
	[smem:$0x3FBA] =	sst s0  }
0x18: {  	s0 =	sld [smem:$0x3F9D];
	_ =	swait.ge [sflag:s4], $0x0  }
0x19: {  	s7 =	sld [smem:$0x3F9E]  }
0x1a: {  	s8 =	sadd.s32 $0xFFFFE003, lr  }
0x1b: {  	s9 =	sadd.s32 $0xFFFFFEF7, lr;
	s5 =	simm.s32 $0xFFFFFFFF;
	p2 =	slt.u32 s8, $0xFFFFF086  }
0x1c: {  	p1 =	slt.u32 s9, $0xF7A;
	s5 =	simm.s32 @!p2 $0x0  }
0x1d: {  	s5 =	simm.s32 @p1 $0x1;
	p0 =	seq.s32 s7, s2  }
0x1e: {  	s7 =	smul.u32 @!p0 $0xF7A, s2;
	p2 =	seq.s32 @!p0 s5, $0x0  }
0x1f: {  	s9 =	smul.u32 $0xF7A, s1;
	s8 =	simm.s32 @!p0 $0x1BF5;
	p2 =	por !p2, p0  }
0x20: {  	[sflag:s8] =	ssyncset.s32 @!p0 $0xFFFFF086;
	s6 =	sadd.s32 @!p0 s3, s7;
	s7 =	simm.s32 @!p0 $0x108  }
0x21: {  	s3 =	sadd.s32 s3, s9;
	s6 =	sadd.s32 @!p0 $0x88, s6;
	s7 =	simm.s32 @p2 $0x1082  }
0x22: {  	[simem:s7], [sflag:s8] =	dma.local @!p0 [hbm:s6], $0xF7A  }
0x23: {  	s9 =	sor.u32 $0xD0000000, s2;
	s6 =	simm.s32 $0x108;
	_ =	swait.ge @!p0 [sflag:s8], $0x0  }
0x24: {  	s3 =	sadd.s32 $0x88, s3;
	s6 =	simm.s32 @!p1 $0x1082;
	[sflag:s4] =	ssyncset.s32 $0xFFFFF086  }
0x25: {  	[simem:s6], [sflag:s4] =	dma.local [hbm:s3], $0xF7A  }
0x26: {  	[smem:$0x3F9E] =	sst s1;
	(tag) =	ssettag s2;
	_ =	strace s9  }
0x27: {  	s1 =	sld [smem:$0x3FAE]  }
0x28: {  	s2 =	sld [smem:$0x3FAF]  }
0x29: {  	s4 =	sld [smem:$0x3FB1]  }
0x2a: {  	p0 =	seq.s32 s5, $0x0;
	s5 =	sld [smem:$0x3FB2]  }
0x2b: {  	s6 =	sld [smem:$0x3FB3]  }
0x2c: {  	s7 =	sld [smem:$0x3FB4]  }
0x2d: {  	s3 =	simm.s32 $0x108;
	s8 =	sld [smem:$0x3FB5]  }
0x2e: {  	s3 =	simm.s32 @!p0 $0x1082;
	s9 =	sld [smem:$0x3FB6]  }
0x2f: {  	lr =	sadd.s32 s0, s3;
	s0 =	sld [smem:$0x3FAD]  }
0x30: {  	s3 =	sld [smem:$0x3FB0]  }
0x31: {  	[smem:$0x3FB9] =	sst s10  }
0x32: {  	s10 =	sld [smem:$0x3FB7];
	_ =	sdelay $0x3  }
0x33: {  	p0 =	seq.s32 s10, $0x1;
	s10 =	sld [smem:$0x3FB9];
	_ =	sdelay $0x3  }
0x34: {  	[smem:$0x3FB9] =	sst s10  }
0x35: {  	s10 =	sld [smem:$0x3FB8];
	_ =	sdelay $0x3  }
0x36: {  	p1 =	seq.s32 s10, $0x1;
	s10 =	sld [smem:$0x3FB9];
	_ =	sdelay $0x3  }
0x37: {  	[smem:$0x3FB9] =	sst s10  }
0x38: {  	s10 =	sld [smem:$0x3FBA]  }
0x39: {  	_ = 	snop;
	(pc) =	sbr.ind lr, $3  }
0x3a: {  	_ = 	snop  }
0x3b: {  	_ = 	snop  }
0x3c: {  	p2 =	seq.s32 s10, $0x1;
	s10 =	sld [smem:$0x3FB9]  }
0x3d: {  	_ =	shalt  }
0x3e: {  	_ =	shalt  }
0x3f: {  	_ =	shalt  }
0x40: {  	_ =	shalt  }
0x41: {  	_ =	shalt  }
0x42: {  	_ =	shalt  }
0x43: {  	_ =	shalt  }
0x44: {  	_ =	shalt  }
0x45: {  	_ =	shalt  }
0x46: {  	_ =	shalt  }
0x47: {  	_ =	shalt  }
0x48: {  	_ =	shalt  }
0x49: {  	_ =	shalt  }
0x4a: {  	_ =	shalt  }
0x4b: {  	_ =	shalt  }
0x4c: {  	_ =	shalt  }
0x4d: {  	_ =	shalt  }
0x4e: {  	_ =	shalt  }
0x4f: {  	_ =	shalt  }
0x50: {  	_ =	shalt  }
0x51: {  	_ =	shalt  }
0x52: {  	_ =	shalt  }
0x53: {  	_ =	shalt  }
0x54: {  	_ =	shalt  }
0x55: {  	_ =	shalt  }
0x56: {  	_ =	shalt  }
0x57: {  	_ =	shalt  }
0x58: {  	_ =	shalt  }
0x59: {  	_ =	shalt  }
0x5a: {  	_ =	shalt  }
0x5b: {  	_ =	shalt  }
0x5c: {  	_ =	shalt  }
0x5d: {  	_ =	shalt  }
0x5e: {  	_ =	shalt  }
0x5f: {  	_ =	shalt  }
0x60: {  	_ =	shalt  }
0x61: {  	_ =	shalt  }
0x62: {  	_ =	shalt  }
0x63: {  	_ =	shalt  }
0x64: {  	_ =	shalt  }
0x65: {  	_ =	shalt  }
0x66: {  	_ =	shalt  }
0x67: {  	_ =	shalt  }
0x68: {  	_ =	shalt  }
0x69: {  	_ =	shalt  }
0x6a: {  	_ =	shalt  }
0x6b: {  	_ =	shalt  }
0x6c: {  	_ =	shalt  }
0x6d: {  	_ =	shalt  }
0x6e: {  	_ =	shalt  }
0x6f: {  	_ =	shalt  }
0x70: {  	_ =	shalt  }
0x71: {  	_ =	shalt  }
0x72: {  	_ =	shalt  }
0x73: {  	_ =	shalt  }
0x74: {  	_ =	shalt  }
0x75: {  	_ =	shalt  }
0x76: {  	_ =	shalt  }
0x77: {  	_ =	shalt  }
0x78: {  	_ =	shalt  }
0x79: {  	_ =	shalt  }
0x7a: {  	_ =	shalt  }
0x7b: {  	_ =	shalt  }
0x7c: {  	_ =	shalt  }
0x7d: {  	_ =	shalt  }
0x7e: {  	_ =	shalt  }
0x7f: {  	_ =	shalt  }
0x80: {  	_ =	shalt  }
0x81: {  	_ =	shalt  }
0x82: {  	_ =	shalt  }
0x83: {  	_ =	shalt  }
0x84: {  	_ =	shalt  }
0x85: {  	_ =	shalt  }
0x86: {  	_ =	shalt  }
0x87: {  	_ =	shalt  }
.Lfunc_end0:
.L_simem_size_0:
called_computation_lowered:
.L_overlay_start_0:
0x88: {  	s2 =	sld [smem:$0x3FD9]  }
0x89: {  	s3 =	sld [smem:$0x3FFE];
	_ =	sdelay $0x1  }
0x8a: {  	s1 =	srdreg.scid  }
0x8b: {  	s0 =	sand.u32 $0x1, s1  }
0x8c: {  	s17 =	sshll.u32 s0, $0xA;
	s2 =	sadd.s32 s3, s2  }
0x8d: {  	s2 =	sadd.s32 s2, s17  }
0x8e: {  	[smem:$0x3FC5] =	sst s2  }
0x8f: {  	_ = 	snop  }
0x90: {  	s2 =	sld [smem:$0x3FD0];
	(tm) =	ssettm $0x1  }
0x91: {  	s18 =	sld [smem:$0x3FFB];
	_ =	sdelay $0x3  }
0x92: {  	_ =	strace s18  }
0x93: {  	s3 =	sld [smem:$0x3FFC];
	_ =	sdelay $0x3  }
0x94: {  	_ =	strace s3  }
0x95: {  	s3 =	sld [smem:$0x3FFD];
	_ =	sdelay $0x3  }
0x96: {  	_ =	strace s3  }
0x97: {  	_ =	strace $0x8FFFFFFF  }
0x98: {  	s19 =	sld [smem:$0x3FDB];
	_ =	sdelay $0x1  }
0x99: {  	s4 =	simm.s32 $_scs_section_size  }
0x9a: {  	s5 =	simm.s32 $_size__tile_overlayer_lowered;
	s6 =	simm.s32 $_tile_overlayer_lowered  }
0x9b: {  	s22 =	simm.s32 $0x1BFF;
	s21 =	sshll.u32 s6, $0x1;
	s3 =	sadd.s32 s4, s19  }
0x9c: {  	s7 =	simm.s32 $0x0;
	s20 =	sshll.u32 s5, $0x1;
	s5 =	sadd.s32 s21, s3  }
0x9d: {  	[timem:s7], [sflag:s22] =	dma.local [hbm:s5], s20  }
0x9e: {  	_ =	swait.ge [sflag:s22], s20  }
0x9f: {  	s4 =	ssub.s32 $0x0, s20;
	[sflag:s22] =	ssyncset.done $0x0  }
0xa0: {  	[sflag:s22] =	ssyncadd.s32 s4;
	_ =	sdelay $0x1  }
0xa1: {  	s23 =	simm.s32 $0x1B8B  }
0xa2: {  	_ =	swait.ge [sflag:s23], $0x1  }
0xa3: {  	[sflag:s23] =	ssyncset.done $0x0  }
0xa4: {  	s25 =	simm.s32 $0x1B8E;
	s24 =	sld [smem:$0x3FFE];
	[sflag:s23] =	ssyncadd.s32 $0xFFFFFFFF  }
0xa5: {  	s26 =	simm.s32 $execute0_lowered;
	[smem:$0x3FD2] =	sst s25  }
0xa6: {  	s5 =	sshll.u32 s26, $0x1;
	_ =	strace $0x80000046;
	[dreg:$0x1] =	wrdreg $0xFFFFFFFF  }
0xa7: {  	s28 =	simm.s32 $_size_execute0_lowered;
	s3 =	sadd.s32 s3, s5;
	[dreg:$0x0] =	wrdreg $0x0  }
0xa8: {  	s5 =	sshll.u32 s28, $0x1;
	[dreg:$0x2] =	wrdreg s3  }
0xa9: {  	[dreg:$0x3] =	wrdreg s5  }
0xaa: {  	[dreg:$0x4] =	wrdreg $0xC0  }
0xab: {  	_ =	task [dreg:s7], $0x5FFFF  }
0xac: {  	[dreg:$0x1] =	wrdreg $0xFFFFFFFF  }
0xad: {  	[dreg:$0x0] =	wrdreg $0x60  }
0xae: {  	[dreg:$0x2] =	wrdreg s24  }
0xaf: {  	[dreg:$0x3] =	wrdreg s2  }
0xb0: {  	[dreg:$0x4] =	wrdreg $0x9  }
0xb1: {  	_ =	task.clear_ibuf [dreg:s7], $0x5FFFF;
	_ =	strace $0x90000046  }
0xb2: {  	s29 =	simm.s32 $0x9;
	_ =	strace $0x80000048  }
0xb3: {  	_ =	swait.ge [sflag:s29], $0x1  }
0xb4: {  	[sflag:s29] =	ssyncadd.s32 $0xFFFFFFFF  }
0xb5: {  	_ =	strace $0x90000048  }
0xb6: {  	_ =	sfence  }
0xb7: {  	s30 =	sld [smem:$0x0];
	_ =	sdelay $0x2  }
0xb8: {  	s31 =	sshll.u32 s1, $0xD;
	s1 =	sshrl.u32 s1, $0x2  }
0xb9: {  	s3 =	sand.u32 $0x4000, s31;
	s1 =	sadd.s32 s1, s30  }
0xba: {  	s0 =	sor.u32 s3, s0;
	s1 =	sshll.u32 s1, $0x11  }
0xbb: {  	s0 =	sor.u32 s1, s0  }
0xbc: {  	s0 =	sadd.s32 $0x8F2B, s0  }
0xbd: {  	[sflag:s0] =	ssyncadd.remote.s32 $0x1  }
0xbe: {  	_ =	sfence.sel $0xFFFF  }
0xbf: {  	[dreg:$0x0] =	wrdreg $0xFFFFFFFF;
	(pc) =	sbr.abs _section_cstart, $3  }
0xc0: {  	[dreg:$0x1] =	wrdreg $0xFFFFFFFF  }
0xc1: {  	_ =	task.clear_ibuf [dreg:s7], $0x2FFFF;
	_ =	strace $0x9FFFFFFF  }
0xc2: {  	(tm) =	ssettm $0x7FFFFFFF  }
0xc3: {  	_ =	shalt  }
tec
execute0_lowered:
.L_overlay_start_1:
0x0: {  	(tag) =	ssettag $0x1  }
0x1: {  	s4 =	rddreg [dreg:$0x0]  }
0x2: {  	s7 =	rddreg [dreg:$0x1];
	s2 =	srdreg.scid  }
0x3: {  	s0 =	rddreg [dreg:$0x2];
	s1 =	stileid.u32  }
0x4: {  	s10 =	simm.s32 $0x200;
	s11 =	simm.s32 $0x100;
	s12 =	simm.s32 $0x400  }
0x5: {  	s13 =	simm.s32 $0x800;
	s14 =	simm.s32 $0x600;
	s15 =	simm.s32 $0x8800  }
0x6: {  	s16 =	simm.s32 $0x1;
	s17 =	simm.s32 $0x2;
	s18 =	simm.s32 $0x500  }
0x7: {  	s19 =	simm.s32 $0x700;
	s20 =	simm.s32 $0x10800;
	s21 =	simm.s32 $0x0  }
0x8: {  	s3 =	sand.u32 $0x1, s2;
	s2 =	simm.s32 $0x0;
	s5 =	sshll.u32 s1, $0x7  }
0x9: {  	s6 =	sshll.u32 s3, $0x6;
	[smem:$0x7FF] =	sst s2;
	s31 =	ssub.s32 $0x2, s3  }
0xa: {  	s3 =	sadd.s32 $0xF43A00, s4;
	s8 =	sor.u32 s6, s5;
	_ =	strace $0x80000047  }
0xb: {  	s9 =	sshrl.u32 s31, $0x1;
	s6 =	sadd.s32 s8, s4;
	s4 =	sadd.s32 $0x112C000, s4  }
0xc: {  	v0 =	vlaneseq.u32;
	s9 =	ssub.s32 s31, s9;
	s7 =	sadd.s32 s7, s8;
	s5 =	sadd.s32 $0xE00, s6  }
0xd: {  	v0 =	vmul.u32 $0x80, v0;
	s6 =	sadd.s32 $0x600, s6;
	s8 =	smax.u32 s9, $0x1;
	s9 =	simm.s32 $0x3  }
.LBB2_1:
0xe: {  	[tilespmem:s2], [sflag:$0x3] =	stream.linear.gather [hbm4b:s5+s2], $0x200, $0x38;
	[tilespmem:$0x10A00] =	vst v63  }
0xf: {  	_ =	swait.ge [sflag:s9], $0x200  }
0x10: {  	[sflag:s9] =	ssyncset.done $0x0  }
0x11: {  	[sflag:s9] =	ssyncadd.s32 $0xFFFFFE00  }
0x12: {  	[tilespmem:s10], [sflag:$0x3] =	stream.linear.gather [hbm4b:s6+s2], $0x200, $0x38;
	[tilespmem:$0x10A00] =	vst v63  }
0x13: {  	_ =	swait.ge [sflag:s9], $0x200  }
0x14: {  	[sflag:s9] =	ssyncset.done $0x0  }
0x15: {  	s22 =	simm.s32 $0x0;
	[sflag:s9] =	ssyncadd.s32 $0xFFFFFE00  }
0x16: {  	v1 =	vld [tilespmem:s22+$0x200]  }
0x17: {  	s23 =	simm.s32 $0x40;
	v2 =	vld [tilespmem:s22+$0x0]  }
.LBB2_2:
0x18: {  	p0 =	sne.s32 s23, $0x7C0  }
.Ltmp0:
0x19: {  	_ = 	snop;
	(pc) =	sbr.rel @p0 .LBB2_2-.Ltmp0, $4  }
0x1a: {  	_ = 	snop  }
0x1b: {  	s24 =	sshra.s32 s23, $0x2;
	s23 =	sadd.s32 $0x40, s23;
	v3 =	vshra.s32 v1, $0x3  }
0x1c: {  	v1 =	vld [tilespmem:s24+$0x200];
	v4 =	vshra.s32 v2, $0x3;
	[tilespmem:s22+$0x600] =	vst v3  }
0x1d: {  	v2 =	vld [tilespmem:s24+$0x0];
	[tilespmem:s22+$0x400] =	vst v4;
	s22 =	smov.u32 s24  }
0x1e: {  	_ =	sdelay $0x2  }
0x1f: {  	v1 =	vshra.s32 v1, $0x3  }
0x20: {  	v2 =	vshra.s32 v2, $0x3;
	[tilespmem:s22+$0x600] =	vst v1  }
0x21: {  	[tilespmem:s22+$0x400] =	vst v2  }
0x22: {  	[tilespmem:s13], [sflag:$0x1] =	stream.indirect.gather [hbm4b:s3+s11], $0x80, s12, s11, $0xb8;
	[tilespmem:$0x10A00] =	vst v63  }
0x23: {  	_ = 	snop  }
0x24: {  	[tilespmem:s15], [sflag:$0x2] =	stream.indirect.gather [hbm4b:s4+s11], $0x80, s14, s11, $0xb8;
	[tilespmem:$0x10A00] =	vst v63  }
0x25: {  	_ =	swait.ge [sflag:s16], $0x8000  }
0x26: {  	[sflag:s16] =	ssyncset.done $0x0  }
0x27: {  	[sflag:s16] =	ssyncadd.s32 $0xFFFF8000  }
0x28: {  	_ =	swait.ge [sflag:s17], $0x8000  }
0x29: {  	[sflag:s17] =	ssyncset.done $0x0  }
0x2a: {  	s31 =	simm.s32 $0x0;
	[sflag:s17] =	ssyncadd.s32 $0xFFFF8000  }
0x2b: {  	s23 =	simm.s32 $0x200;
	v1 =	vld [tilespmem:s31+$0x0]  }
0x2c: {  	v2 =	vld [tilespmem:s23+$0x0];
	_ =	sdelay $0x2  }
0x2d: {  	v3 =	vmov s31  }
0x2e: {  	v3 =	vshll.u32 v3, $0x7;
	v1 =	vshll.u32 v1, $0x4  }
0x2f: {  	v3 =	vor.u32 v0, v3;
	v2 =	vshll.u32 v2, $0x4;
	v1 =	vand.u32 $0x70, v1  }
0x30: {  	v2 =	vand.u32 $0x70, v2;
	v1 =	vor.u32 v3, v1  }
0x31: {  	v2 =	vor.u32 v3, v2  }
0x32: {  	v3 =	vor.u32 $0x1, v1  }
0x33: {  	v4 =	vor.u32 $0x1, v2  }
0x34: {  	v5 =	vor.u32 $0x2, v1  }
0x35: {  	v7 =	vor.u32 $0x2, v2;
	v6 =	vld.idx.msk [tilespmem:v1+s13+$0x0], $0xffff  }
0x36: {  	v9 =	vor.u32 $0x3, v1;
	v8 =	vld.idx.msk [tilespmem:v2+s15+$0x0], $0xffff  }
0x37: {  	v10 =	vor.u32 $0x3, v2;
	v3 =	vld.idx.msk [tilespmem:v3+s13+$0x0], $0xffff  }
0x38: {  	v11 =	vor.u32 $0x4, v1;
	v4 =	vld.idx.msk [tilespmem:v4+s15+$0x0], $0xffff  }
0x39: {  	v12 =	vor.u32 $0x4, v2;
	v5 =	vld.idx.msk [tilespmem:v5+s13+$0x0], $0xffff  }
0x3a: {  	v13 =	vor.u32 $0x5, v1;
	v7 =	vld.idx.msk [tilespmem:v7+s15+$0x0], $0xffff  }
0x3b: {  	v14 =	vor.u32 $0x5, v2;
	v9 =	vld.idx.msk [tilespmem:v9+s13+$0x0], $0xffff;
	v6 =	vmul.f32 v8, v6  }
0x3c: {  	v25 =	vor.u32 $0x6, v1;
	v24 =	vld.idx.msk [tilespmem:v10+s15+$0x0], $0xffff  }
0x3d: {  	v15 =	vor.u32 $0x6, v2;
	v11 =	vld.idx.msk [tilespmem:v11+s13+$0x0], $0xffff;
	v3 =	vmul.f32 v4, v3;
	v6 =	vadd.f32 $0.0e+00, v6  }
0x3e: {  	v27 =	vor.u32 $0x7, v1;
	v26 =	vld.idx.msk [tilespmem:v12+s15+$0x0], $0xffff  }
0x3f: {  	v16 =	vor.u32 $0x7, v2;
	v13 =	vld.idx.msk [tilespmem:v13+s13+$0x0], $0xffff;
	v5 =	vmul.f32 v7, v5;
	v3 =	vadd.f32 v3, v6  }
0x40: {  	v30 =	vor.u32 $0x8, v2;
	v28 =	vld.idx.msk [tilespmem:v14+s15+$0x0], $0xffff  }
0x41: {  	v29 =	vor.u32 $0x8, v1;
	v10 =	vld.idx.msk [tilespmem:v25+s13+$0x0], $0xffff;
	v31 =	vmul.f32 v24, v9;
	v3 =	vadd.f32 v5, v3  }
0x42: {  	v34 =	vor.u32 $0x9, v2;
	v32 =	vld.idx.msk [tilespmem:v15+s15+$0x0], $0xffff  }
0x43: {  	v33 =	vor.u32 $0x9, v1;
	v12 =	vld.idx.msk [tilespmem:v27+s13+$0x0], $0xffff;
	v4 =	vmul.f32 v26, v11;
	v3 =	vadd.f32 v31, v3  }
0x44: {  	v37 =	vor.u32 $0xA, v2;
	v35 =	vld.idx.msk [tilespmem:v16+s15+$0x0], $0xffff  }
0x45: {  	v36 =	vor.u32 $0xA, v1;
	v39 =	vld.idx.msk [tilespmem:v30+s15+$0x0], $0xffff;
	v38 =	vmul.f32 v28, v13;
	v3 =	vadd.f32 v4, v3  }
0x46: {  	v41 =	vor.u32 $0xB, v2;
	v7 =	vld.idx.msk [tilespmem:v29+s13+$0x0], $0xffff  }
0x47: {  	v40 =	vor.u32 $0xB, v1;
	v43 =	vld.idx.msk [tilespmem:v34+s15+$0x0], $0xffff;
	v42 =	vmul.f32 v32, v10;
	v3 =	vadd.f32 v38, v3  }
0x48: {  	v45 =	vor.u32 $0xC, v2;
	v9 =	vld.idx.msk [tilespmem:v33+s13+$0x0], $0xffff  }
0x49: {  	v44 =	vor.u32 $0xC, v1;
	v47 =	vld.idx.msk [tilespmem:v37+s15+$0x0], $0xffff;
	v46 =	vmul.f32 v35, v12;
	v3 =	vadd.f32 v42, v3  }
0x4a: {  	v48 =	vor.u32 $0xD, v1;
	v11 =	vld.idx.msk [tilespmem:v36+s13+$0x0], $0xffff  }
0x4b: {  	v49 =	vor.u32 $0xD, v2;
	v51 =	vld.idx.msk [tilespmem:v41+s15+$0x0], $0xffff;
	v50 =	vmul.f32 v39, v7;
	v3 =	vadd.f32 v46, v3  }
0x4c: {  	v53 =	vor.u32 $0xE, v2;
	v13 =	vld.idx.msk [tilespmem:v40+s13+$0x0], $0xffff  }
0x4d: {  	v52 =	vor.u32 $0xE, v1;
	v55 =	vld.idx.msk [tilespmem:v45+s15+$0x0], $0xffff;
	v54 =	vmul.f32 v43, v9;
	v3 =	vadd.f32 v50, v3  }
0x4e: {  	v1 =	vor.u32 $0xF, v1;
	v10 =	vld.idx.msk [tilespmem:v44+s13+$0x0], $0xffff  }
0x4f: {  	v2 =	vor.u32 $0xF, v2;
	v56 =	vld.idx.msk [tilespmem:v48+s13+$0x0], $0xffff;
	v57 =	vmul.f32 v47, v11;
	v3 =	vadd.f32 v54, v3  }
0x50: {  	v58 =	vld.idx.msk [tilespmem:v49+s15+$0x0], $0xffff  }
0x51: {  	v60 =	vld.idx.msk [tilespmem:v53+s15+$0x0], $0xffff;
	v59 =	vmul.f32 v51, v13;
	v3 =	vadd.f32 v57, v3  }
0x52: {  	v7 =	vld.idx.msk [tilespmem:v52+s13+$0x0], $0xffff  }
0x53: {  	v1 =	vld.idx.msk [tilespmem:v1+s13+$0x0], $0xffff;
	v61 =	vmul.f32 v55, v10;
	v3 =	vadd.f32 v59, v3  }
0x54: {  	v2 =	vld.idx.msk [tilespmem:v2+s15+$0x0], $0xffff  }
0x55: {  	v62 =	vmul.f32 v58, v56;
	v3 =	vadd.f32 v61, v3;
	_ =	sdelay $0x1  }
0x56: {  	v63 =	vmul.f32 v60, v7;
	v3 =	vadd.f32 v62, v3;
	_ =	sdelay $0x1  }
0x57: {  	v1 =	vmul.f32 v2, v1;
	v3 =	vadd.f32 v63, v3;
	_ =	sdelay $0x1  }
0x58: {  	v1 =	vadd.f32 v1, v3;
	_ =	sdelay $0x1  }
0x59: {  	v1 =	vsub.f32 $0.0e+00, v1;
	_ =	sdelay $0x1  }
0x5a: {  	v1 =	vmul.f32 $1.442695020e+00, v1;
	_ =	sdelay $0x1  }
0x5b: {  	(erf) = vpow2.f32 v1;
	_ =	sdelay $0x8  }
0x5c: {  	v1 =	vpop (erf)  }
0x5d: {  	v1 =	vadd.f32 $1.000000000e+00, v1;
	_ =	sdelay $0x1  }
0x5e: {  	(erf) = vrcp.f32 v1;
	_ =	sdelay $0x8  }
0x5f: {  	s22 =	simm.s32 $0x10800;
	v1 =	vpop (erf)  }
0x60: {  	s23 =	simm.s32 $0x10;
	[tilespmem:s22+$0x0] =	vst v1  }
0x61: {  	s24 =	simm.s32 $0x210;
	v1 =	vld [tilespmem:s23+$0x0]  }
0x62: {  	s25 =	simm.s32 $0x20;
	s26 =	simm.s32 $0x10;
	v2 =	vld [tilespmem:s24+$0x0]  }
.LBB2_4:
0x63: {  	p0 =	sne.s32 s25, $0xF0;
	_ =	sdelay $0x1  }
0x64: {  	v3 =	vmov s23;
	s23 =	smov.u32 s25  }
0x65: {  	v3 =	vshll.u32 v3, $0x7;
	v1 =	vshll.u32 v1, $0x4  }
0x66: {  	v3 =	vor.u32 v0, v3;
	v1 =	vand.u32 $0x70, v1;
	v2 =	vshll.u32 v2, $0x4  }
0x67: {  	v2 =	vand.u32 $0x70, v2;
	v1 =	vor.u32 v3, v1  }
0x68: {  	v2 =	vor.u32 v3, v2  }
0x69: {  	v3 =	vor.u32 $0x1, v1  }
0x6a: {  	v4 =	vor.u32 $0x1, v2  }
0x6b: {  	v5 =	vor.u32 $0x2, v1  }
0x6c: {  	v7 =	vor.u32 $0x2, v2;
	v6 =	vld.idx.msk [tilespmem:v1+s13+$0x0], $0xffff  }
0x6d: {  	v9 =	vor.u32 $0x3, v1;
	v8 =	vld.idx.msk [tilespmem:v2+s15+$0x0], $0xffff  }
0x6e: {  	v10 =	vor.u32 $0x3, v2;
	v3 =	vld.idx.msk [tilespmem:v3+s13+$0x0], $0xffff  }
0x6f: {  	v11 =	vor.u32 $0x4, v1;
	v4 =	vld.idx.msk [tilespmem:v4+s15+$0x0], $0xffff  }
0x70: {  	v12 =	vor.u32 $0x4, v2;
	v5 =	vld.idx.msk [tilespmem:v5+s13+$0x0], $0xffff  }
0x71: {  	v13 =	vor.u32 $0x5, v1;
	v7 =	vld.idx.msk [tilespmem:v7+s15+$0x0], $0xffff  }
0x72: {  	v14 =	vor.u32 $0x5, v2;
	v9 =	vld.idx.msk [tilespmem:v9+s13+$0x0], $0xffff  }
0x73: {  	v6 =	vmul.f32 v8, v6;
	v8 =	vld.idx.msk [tilespmem:v10+s15+$0x0], $0xffff;
	v10 =	vor.u32 $0x6, v1  }
0x74: {  	v15 =	vor.u32 $0x6, v2;
	v11 =	vld.idx.msk [tilespmem:v11+s13+$0x0], $0xffff  }
0x75: {  	v6 =	vadd.f32 $0.0e+00, v6;
	v3 =	vmul.f32 v4, v3;
	v4 =	vld.idx.msk [tilespmem:v12+s15+$0x0], $0xffff;
	v12 =	vor.u32 $0x7, v1  }
0x76: {  	v16 =	vor.u32 $0x7, v2;
	v13 =	vld.idx.msk [tilespmem:v13+s13+$0x0], $0xffff  }
0x77: {  	v3 =	vadd.f32 v3, v6;
	v5 =	vmul.f32 v7, v5;
	v7 =	vor.u32 $0x8, v1;
	v6 =	vld.idx.msk [tilespmem:v14+s15+$0x0], $0xffff  }
0x78: {  	v14 =	vor.u32 $0x8, v2;
	v10 =	vld.idx.msk [tilespmem:v10+s13+$0x0], $0xffff  }
0x79: {  	v3 =	vadd.f32 v5, v3;
	v5 =	vmul.f32 v8, v9;
	v9 =	vor.u32 $0x9, v1;
	v8 =	vld.idx.msk [tilespmem:v15+s15+$0x0], $0xffff  }
0x7a: {  	v15 =	vor.u32 $0x9, v2;
	v12 =	vld.idx.msk [tilespmem:v12+s13+$0x0], $0xffff  }
0x7b: {  	v3 =	vadd.f32 v5, v3;
	v4 =	vmul.f32 v4, v11;
	v11 =	vor.u32 $0xA, v1;
	v5 =	vld.idx.msk [tilespmem:v16+s15+$0x0], $0xffff  }
0x7c: {  	v16 =	vor.u32 $0xA, v2;
	v7 =	vld.idx.msk [tilespmem:v7+s13+$0x0], $0xffff  }
0x7d: {  	v3 =	vadd.f32 v4, v3;
	v4 =	vmul.f32 v6, v13;
	v13 =	vor.u32 $0xB, v1;
	v6 =	vld.idx.msk [tilespmem:v14+s15+$0x0], $0xffff  }
0x7e: {  	v14 =	vor.u32 $0xB, v2;
	v9 =	vld.idx.msk [tilespmem:v9+s13+$0x0], $0xffff  }
0x7f: {  	v3 =	vadd.f32 v4, v3;
	v4 =	vmul.f32 v8, v10;
	v10 =	vor.u32 $0xC, v1;
	v8 =	vld.idx.msk [tilespmem:v15+s15+$0x0], $0xffff  }
0x80: {  	v15 =	vor.u32 $0xC, v2;
	v11 =	vld.idx.msk [tilespmem:v11+s13+$0x0], $0xffff  }
0x81: {  	v3 =	vadd.f32 v4, v3;
	v4 =	vmul.f32 v5, v12;
	v12 =	vor.u32 $0xD, v1;
	v5 =	vld.idx.msk [tilespmem:v16+s15+$0x0], $0xffff  }
0x82: {  	v16 =	vor.u32 $0xD, v2;
	v13 =	vld.idx.msk [tilespmem:v13+s13+$0x0], $0xffff  }
0x83: {  	v3 =	vadd.f32 v4, v3;
	v4 =	vmul.f32 v6, v7;
	v7 =	vor.u32 $0xE, v1;
	v6 =	vld.idx.msk [tilespmem:v14+s15+$0x0], $0xffff  }
0x84: {  	v14 =	vor.u32 $0xE, v2;
	v10 =	vld.idx.msk [tilespmem:v10+s13+$0x0], $0xffff  }
0x85: {  	v1 =	vor.u32 $0xF, v1;
	v3 =	vadd.f32 v4, v3;
	v4 =	vmul.f32 v8, v9;
	v8 =	vld.idx.msk [tilespmem:v15+s15+$0x0], $0xffff  }
0x86: {  	v2 =	vor.u32 $0xF, v2;
	v9 =	vld.idx.msk [tilespmem:v12+s13+$0x0], $0xffff  }
0x87: {  	v3 =	vadd.f32 v4, v3;
	v4 =	vmul.f32 v5, v11;
	v5 =	vld.idx.msk [tilespmem:v16+s15+$0x0], $0xffff  }
0x88: {  	v7 =	vld.idx.msk [tilespmem:v7+s13+$0x0], $0xffff  }
0x89: {  	v3 =	vadd.f32 v4, v3;
	v4 =	vmul.f32 v6, v13;
	v6 =	vld.idx.msk [tilespmem:v14+s15+$0x0], $0xffff  }
0x8a: {  	v1 =	vld.idx.msk [tilespmem:v1+s13+$0x0], $0xffff  }
0x8b: {  	v3 =	vadd.f32 v4, v3;
	v4 =	vmul.f32 v8, v10;
	v2 =	vld.idx.msk [tilespmem:v2+s15+$0x0], $0xffff;
	_ =	sdelay $0x1  }
0x8c: {  	v3 =	vadd.f32 v4, v3;
	v4 =	vmul.f32 v5, v9;
	_ =	sdelay $0x1  }
0x8d: {  	v3 =	vadd.f32 v4, v3;
	v4 =	vmul.f32 v6, v7;
	_ =	sdelay $0x1  }
0x8e: {  	v3 =	vadd.f32 v4, v3;
	v1 =	vmul.f32 v2, v1;
	_ =	sdelay $0x1  }
0x8f: {  	v1 =	vadd.f32 v1, v3;
	_ =	sdelay $0x1  }
0x90: {  	v1 =	vsub.f32 $0.0e+00, v1;
	_ =	sdelay $0x1  }
0x91: {  	v1 =	vmul.f32 $1.442695020e+00, v1;
	_ =	sdelay $0x1  }
0x92: {  	(erf) = vpow2.f32 v1;
	_ =	sdelay $0x8  }
0x93: {  	v1 =	vpop (erf)  }
0x94: {  	v1 =	vadd.f32 $1.000000000e+00, v1;
	_ =	sdelay $0x1  }
0x95: {  	(erf) = vrcp.f32 v1;
	_ =	sdelay $0x7  }
.Ltmp1:
0x96: {  	(pc) =	sbr.rel @p0 .LBB2_4-.Ltmp1, $4  }
0x97: {  	s22 =	sadd.s32 $0x10, s22;
	v1 =	vpop (erf)  }
0x98: {  	s26 =	sadd.s32 $0x10, s26;
	[tilespmem:s22+$0x0] =	vst v1  }
0x99: {  	s24 =	sadd.s32 $0x10, s24;
	v1 =	vld [tilespmem:s26+$0x0]  }
0x9a: {  	s25 =	sadd.s32 $0x10, s25;
	v2 =	vld [tilespmem:s24+$0x0]  }
0x9b: {  	_ =	sdelay $0x1  }
0x9c: {  	v3 =	vmov s23  }
0x9d: {  	v3 =	vshll.u32 v3, $0x7;
	v1 =	vshll.u32 v1, $0x4  }
0x9e: {  	v3 =	vor.u32 v0, v3;
	v1 =	vand.u32 $0x70, v1;
	v2 =	vshll.u32 v2, $0x4  }
0x9f: {  	v2 =	vand.u32 $0x70, v2;
	v1 =	vor.u32 v3, v1  }
0xa0: {  	v2 =	vor.u32 v3, v2  }
0xa1: {  	v3 =	vor.u32 $0x1, v1  }
0xa2: {  	v4 =	vor.u32 $0x1, v2  }
0xa3: {  	v5 =	vor.u32 $0x2, v1  }
0xa4: {  	v7 =	vor.u32 $0x2, v2;
	v6 =	vld.idx.msk [tilespmem:v1+s13+$0x0], $0xffff  }
0xa5: {  	v9 =	vor.u32 $0x3, v1;
	v8 =	vld.idx.msk [tilespmem:v2+s15+$0x0], $0xffff  }
0xa6: {  	v10 =	vor.u32 $0x3, v2;
	v3 =	vld.idx.msk [tilespmem:v3+s13+$0x0], $0xffff  }
0xa7: {  	v11 =	vor.u32 $0x4, v1;
	v4 =	vld.idx.msk [tilespmem:v4+s15+$0x0], $0xffff  }
0xa8: {  	v12 =	vor.u32 $0x4, v2;
	v5 =	vld.idx.msk [tilespmem:v5+s13+$0x0], $0xffff  }
0xa9: {  	v13 =	vor.u32 $0x5, v1;
	v7 =	vld.idx.msk [tilespmem:v7+s15+$0x0], $0xffff  }
0xaa: {  	v14 =	vor.u32 $0x5, v2;
	v9 =	vld.idx.msk [tilespmem:v9+s13+$0x0], $0xffff;
	v6 =	vmul.f32 v8, v6  }
0xab: {  	v20 =	vor.u32 $0x6, v1;
	v63 =	vld.idx.msk [tilespmem:v10+s15+$0x0], $0xffff  }
0xac: {  	v15 =	vor.u32 $0x6, v2;
	v11 =	vld.idx.msk [tilespmem:v11+s13+$0x0], $0xffff;
	v3 =	vmul.f32 v4, v3;
	v6 =	vadd.f32 $0.0e+00, v6  }
0xad: {  	v22 =	vor.u32 $0x7, v1;
	v21 =	vld.idx.msk [tilespmem:v12+s15+$0x0], $0xffff  }
0xae: {  	v16 =	vor.u32 $0x7, v2;
	v13 =	vld.idx.msk [tilespmem:v13+s13+$0x0], $0xffff;
	v5 =	vmul.f32 v7, v5;
	v3 =	vadd.f32 v3, v6  }
0xaf: {  	v25 =	vor.u32 $0x8, v2;
	v23 =	vld.idx.msk [tilespmem:v14+s15+$0x0], $0xffff  }
0xb0: {  	v24 =	vor.u32 $0x8, v1;
	v10 =	vld.idx.msk [tilespmem:v20+s13+$0x0], $0xffff;
	v26 =	vmul.f32 v63, v9;
	v3 =	vadd.f32 v5, v3  }
0xb1: {  	v29 =	vor.u32 $0x9, v2;
	v27 =	vld.idx.msk [tilespmem:v15+s15+$0x0], $0xffff  }
0xb2: {  	v28 =	vor.u32 $0x9, v1;
	v12 =	vld.idx.msk [tilespmem:v22+s13+$0x0], $0xffff;
	v4 =	vmul.f32 v21, v11;
	v3 =	vadd.f32 v26, v3  }
0xb3: {  	v32 =	vor.u32 $0xA, v2;
	v30 =	vld.idx.msk [tilespmem:v16+s15+$0x0], $0xffff  }
0xb4: {  	v31 =	vor.u32 $0xA, v1;
	v34 =	vld.idx.msk [tilespmem:v25+s15+$0x0], $0xffff;
	v33 =	vmul.f32 v23, v13;
	v3 =	vadd.f32 v4, v3  }
0xb5: {  	v36 =	vor.u32 $0xB, v2;
	v7 =	vld.idx.msk [tilespmem:v24+s13+$0x0], $0xffff  }
0xb6: {  	v35 =	vor.u32 $0xB, v1;
	v38 =	vld.idx.msk [tilespmem:v29+s15+$0x0], $0xffff;
	v37 =	vmul.f32 v27, v10;
	v3 =	vadd.f32 v33, v3  }
0xb7: {  	v40 =	vor.u32 $0xC, v2;
	v9 =	vld.idx.msk [tilespmem:v28+s13+$0x0], $0xffff  }
0xb8: {  	v39 =	vor.u32 $0xC, v1;
	v42 =	vld.idx.msk [tilespmem:v32+s15+$0x0], $0xffff;
	v41 =	vmul.f32 v30, v12;
	v3 =	vadd.f32 v37, v3  }
0xb9: {  	v43 =	vor.u32 $0xD, v1;
	v11 =	vld.idx.msk [tilespmem:v31+s13+$0x0], $0xffff  }
0xba: {  	v44 =	vor.u32 $0xD, v2;
	v46 =	vld.idx.msk [tilespmem:v36+s15+$0x0], $0xffff;
	v45 =	vmul.f32 v34, v7;
	v3 =	vadd.f32 v41, v3  }
0xbb: {  	v48 =	vor.u32 $0xE, v2;
	v13 =	vld.idx.msk [tilespmem:v35+s13+$0x0], $0xffff  }
0xbc: {  	v47 =	vor.u32 $0xE, v1;
	v50 =	vld.idx.msk [tilespmem:v40+s15+$0x0], $0xffff;
	v49 =	vmul.f32 v38, v9;
	v3 =	vadd.f32 v45, v3  }
0xbd: {  	v1 =	vor.u32 $0xF, v1;
	v10 =	vld.idx.msk [tilespmem:v39+s13+$0x0], $0xffff  }
0xbe: {  	v51 =	vld.idx.msk [tilespmem:v43+s13+$0x0], $0xffff;
	v2 =	vor.u32 $0xF, v2;
	v52 =	vmul.f32 v42, v11;
	v3 =	vadd.f32 v49, v3  }
0xbf: {  	v53 =	vld.idx.msk [tilespmem:v44+s15+$0x0], $0xffff  }
0xc0: {  	v55 =	vld.idx.msk [tilespmem:v48+s15+$0x0], $0xffff;
	v54 =	vmul.f32 v46, v13;
	v3 =	vadd.f32 v52, v3  }
0xc1: {  	v7 =	vld.idx.msk [tilespmem:v47+s13+$0x0], $0xffff  }
0xc2: {  	v1 =	vld.idx.msk [tilespmem:v1+s13+$0x0], $0xffff;
	v56 =	vmul.f32 v50, v10;
	v3 =	vadd.f32 v54, v3  }
0xc3: {  	v2 =	vld.idx.msk [tilespmem:v2+s15+$0x0], $0xffff  }
0xc4: {  	v57 =	vmul.f32 v53, v51;
	v3 =	vadd.f32 v56, v3;
	_ =	sdelay $0x1  }
0xc5: {  	v58 =	vmul.f32 v55, v7;
	v3 =	vadd.f32 v57, v3;
	_ =	sdelay $0x1  }
0xc6: {  	v1 =	vmul.f32 v2, v1;
	v3 =	vadd.f32 v58, v3;
	_ =	sdelay $0x1  }
0xc7: {  	v1 =	vadd.f32 v1, v3;
	_ =	sdelay $0x1  }
0xc8: {  	v1 =	vsub.f32 $0.0e+00, v1;
	_ =	sdelay $0x1  }
0xc9: {  	v1 =	vmul.f32 $1.442695020e+00, v1;
	_ =	sdelay $0x1  }
0xca: {  	(erf) = vpow2.f32 v1;
	_ =	sdelay $0x8  }
0xcb: {  	v1 =	vpop (erf)  }
0xcc: {  	v1 =	vadd.f32 $1.000000000e+00, v1;
	_ =	sdelay $0x1  }
0xcd: {  	(erf) = vrcp.f32 v1;
	_ =	sdelay $0x8  }
0xce: {  	s22 =	sadd.s32 $0x10, s22;
	v1 =	vpop (erf)  }
0xcf: {  	s29 =	simm.s32 $0x100;
	[tilespmem:s22+$0x0] =	vst v1  }
0xd0: {  	[tilespmem:s13], [sflag:$0x1] =	stream.indirect.gather [hbm4b:s3+s29], $0x80, s18, s29, $0xb8;
	[tilespmem:$0x10A00] =	vst v63  }
0xd1: {  	_ = 	snop  }
0xd2: {  	[tilespmem:s15], [sflag:$0x2] =	stream.indirect.gather [hbm4b:s4+s29], $0x80, s19, s29, $0xb8;
	[tilespmem:$0x10A00] =	vst v63  }
0xd3: {  	_ =	swait.ge [sflag:s16], $0x8000  }
0xd4: {  	[sflag:s16] =	ssyncset.done $0x0  }
0xd5: {  	[sflag:s16] =	ssyncadd.s32 $0xFFFF8000  }
0xd6: {  	_ =	swait.ge [sflag:s17], $0x8000  }
0xd7: {  	[sflag:s17] =	ssyncset.done $0x0  }
0xd8: {  	[sflag:s17] =	ssyncadd.s32 $0xFFFF8000  }
0xd9: {  	s30 =	simm.s32 $0x300;
	v1 =	vld [tilespmem:s29+$0x0]  }
0xda: {  	v2 =	vld [tilespmem:s30+$0x0];
	_ =	sdelay $0x1  }
0xdb: {  	s31 =	simm.s32 $0x0  }
0xdc: {  	v3 =	vmov s31  }
0xdd: {  	v3 =	vshll.u32 v3, $0x7;
	v1 =	vshll.u32 v1, $0x4  }
0xde: {  	v3 =	vor.u32 v0, v3;
	v2 =	vshll.u32 v2, $0x4;
	v1 =	vand.u32 $0x70, v1  }
0xdf: {  	v2 =	vand.u32 $0x70, v2;
	v1 =	vor.u32 v3, v1  }
0xe0: {  	v2 =	vor.u32 v3, v2  }
0xe1: {  	v3 =	vor.u32 $0x1, v1  }
0xe2: {  	v59 =	vor.u32 $0x1, v2  }
0xe3: {  	v60 =	vor.u32 $0x2, v1  }
0xe4: {  	v62 =	vor.u32 $0x2, v2;
	v61 =	vld.idx.msk [tilespmem:v1+s13+$0x0], $0xffff  }
0xe5: {  	v16 =	vor.u32 $0x3, v1;
	v63 =	vld.idx.msk [tilespmem:v2+s15+$0x0], $0xffff  }
0xe6: {  	v17 =	vor.u32 $0x3, v2;
	v3 =	vld.idx.msk [tilespmem:v3+s13+$0x0], $0xffff  }
0xe7: {  	v18 =	vor.u32 $0x4, v1;
	v4 =	vld.idx.msk [tilespmem:v59+s15+$0x0], $0xffff  }
0xe8: {  	v19 =	vor.u32 $0x4, v2;
	v5 =	vld.idx.msk [tilespmem:v60+s13+$0x0], $0xffff  }
0xe9: {  	v20 =	vor.u32 $0x5, v1;
	v7 =	vld.idx.msk [tilespmem:v62+s15+$0x0], $0xffff  }
0xea: {  	v21 =	vor.u32 $0x5, v2;
	v9 =	vld.idx.msk [tilespmem:v16+s13+$0x0], $0xffff;
	v6 =	vmul.f32 v63, v61  }
0xeb: {  	v23 =	vor.u32 $0x6, v1;
	v22 =	vld.idx.msk [tilespmem:v17+s15+$0x0], $0xffff  }
0xec: {  	v24 =	vor.u32 $0x6, v2;
	v11 =	vld.idx.msk [tilespmem:v18+s13+$0x0], $0xffff;
	v3 =	vmul.f32 v4, v3;
	v6 =	vadd.f32 $0.0e+00, v6  }
0xed: {  	v26 =	vor.u32 $0x7, v1;
	v25 =	vld.idx.msk [tilespmem:v19+s15+$0x0], $0xffff  }
0xee: {  	v27 =	vor.u32 $0x7, v2;
	v13 =	vld.idx.msk [tilespmem:v20+s13+$0x0], $0xffff;
	v5 =	vmul.f32 v7, v5;
	v3 =	vadd.f32 v3, v6  }
0xef: {  	v30 =	vor.u32 $0x8, v2;
	v28 =	vld.idx.msk [tilespmem:v21+s15+$0x0], $0xffff  }
0xf0: {  	v29 =	vor.u32 $0x8, v1;
	v10 =	vld.idx.msk [tilespmem:v23+s13+$0x0], $0xffff;
	v31 =	vmul.f32 v22, v9;
	v3 =	vadd.f32 v5, v3  }
0xf1: {  	v34 =	vor.u32 $0x9, v2;
	v32 =	vld.idx.msk [tilespmem:v24+s15+$0x0], $0xffff  }
0xf2: {  	v33 =	vor.u32 $0x9, v1;
	v12 =	vld.idx.msk [tilespmem:v26+s13+$0x0], $0xffff;
	v4 =	vmul.f32 v25, v11;
	v3 =	vadd.f32 v31, v3  }
0xf3: {  	v37 =	vor.u32 $0xA, v2;
	v35 =	vld.idx.msk [tilespmem:v27+s15+$0x0], $0xffff  }
0xf4: {  	v36 =	vor.u32 $0xA, v1;
	v39 =	vld.idx.msk [tilespmem:v30+s15+$0x0], $0xffff;
	v38 =	vmul.f32 v28, v13;
	v3 =	vadd.f32 v4, v3  }
0xf5: {  	v41 =	vor.u32 $0xB, v2;
	v7 =	vld.idx.msk [tilespmem:v29+s13+$0x0], $0xffff  }
0xf6: {  	v40 =	vor.u32 $0xB, v1;
	v43 =	vld.idx.msk [tilespmem:v34+s15+$0x0], $0xffff;
	v42 =	vmul.f32 v32, v10;
	v3 =	vadd.f32 v38, v3  }
0xf7: {  	v45 =	vor.u32 $0xC, v2;
	v9 =	vld.idx.msk [tilespmem:v33+s13+$0x0], $0xffff  }
0xf8: {  	v44 =	vor.u32 $0xC, v1;
	v47 =	vld.idx.msk [tilespmem:v37+s15+$0x0], $0xffff;
	v46 =	vmul.f32 v35, v12;
	v3 =	vadd.f32 v42, v3  }
0xf9: {  	v48 =	vor.u32 $0xD, v1;
	v11 =	vld.idx.msk [tilespmem:v36+s13+$0x0], $0xffff  }
0xfa: {  	v49 =	vor.u32 $0xD, v2;
	v51 =	vld.idx.msk [tilespmem:v41+s15+$0x0], $0xffff;
	v50 =	vmul.f32 v39, v7;
	v3 =	vadd.f32 v46, v3  }
0xfb: {  	v53 =	vor.u32 $0xE, v2;
	v13 =	vld.idx.msk [tilespmem:v40+s13+$0x0], $0xffff  }
0xfc: {  	v52 =	vor.u32 $0xE, v1;
	v55 =	vld.idx.msk [tilespmem:v45+s15+$0x0], $0xffff;
	v54 =	vmul.f32 v43, v9;
	v3 =	vadd.f32 v50, v3  }
0xfd: {  	v1 =	vor.u32 $0xF, v1;
	v10 =	vld.idx.msk [tilespmem:v44+s13+$0x0], $0xffff  }
0xfe: {  	v2 =	vor.u32 $0xF, v2;
	v56 =	vld.idx.msk [tilespmem:v48+s13+$0x0], $0xffff;
	v57 =	vmul.f32 v47, v11;
	v3 =	vadd.f32 v54, v3  }
0xff: {  	v58 =	vld.idx.msk [tilespmem:v49+s15+$0x0], $0xffff  }
0x100: {  	v60 =	vld.idx.msk [tilespmem:v53+s15+$0x0], $0xffff;
	v59 =	vmul.f32 v51, v13;
	v3 =	vadd.f32 v57, v3  }
0x101: {  	v7 =	vld.idx.msk [tilespmem:v52+s13+$0x0], $0xffff  }
0x102: {  	v1 =	vld.idx.msk [tilespmem:v1+s13+$0x0], $0xffff;
	v61 =	vmul.f32 v55, v10;
	v3 =	vadd.f32 v59, v3  }
0x103: {  	v2 =	vld.idx.msk [tilespmem:v2+s15+$0x0], $0xffff  }
0x104: {  	v62 =	vmul.f32 v58, v56;
	v3 =	vadd.f32 v61, v3;
	_ =	sdelay $0x1  }
0x105: {  	v63 =	vmul.f32 v60, v7;
	v3 =	vadd.f32 v62, v3;
	_ =	sdelay $0x1  }
0x106: {  	v1 =	vmul.f32 v2, v1;
	v3 =	vadd.f32 v63, v3;
	_ =	sdelay $0x1  }
0x107: {  	v1 =	vadd.f32 v1, v3;
	_ =	sdelay $0x1  }
0x108: {  	v1 =	vsub.f32 $0.0e+00, v1;
	_ =	sdelay $0x1  }
0x109: {  	v1 =	vmul.f32 $1.442695020e+00, v1;
	_ =	sdelay $0x1  }
0x10a: {  	(erf) = vpow2.f32 v1;
	_ =	sdelay $0x8  }
0x10b: {  	v1 =	vpop (erf)  }
0x10c: {  	v1 =	vadd.f32 $1.000000000e+00, v1;
	_ =	sdelay $0x1  }
0x10d: {  	(erf) = vrcp.f32 v1;
	_ =	sdelay $0x8  }
0x10e: {  	s22 =	simm.s32 $0x10900;
	v1 =	vpop (erf)  }
0x10f: {  	s23 =	simm.s32 $0x110;
	[tilespmem:s22+$0x0] =	vst v1  }
0x110: {  	s24 =	simm.s32 $0x310;
	v1 =	vld [tilespmem:s23+$0x0]  }
0x111: {  	s25 =	simm.s32 $0x10;
	s26 =	simm.s32 $0x20;
	v2 =	vld [tilespmem:s24+$0x0]  }
.LBB2_6:
0x112: {  	p0 =	sne.s32 s26, $0xF0;
	_ =	sdelay $0x1  }
0x113: {  	v3 =	vmov s25;
	s25 =	smov.u32 s26  }
0x114: {  	v3 =	vshll.u32 v3, $0x7;
	v1 =	vshll.u32 v1, $0x4  }
0x115: {  	v3 =	vor.u32 v0, v3;
	v1 =	vand.u32 $0x70, v1;
	v2 =	vshll.u32 v2, $0x4  }
0x116: {  	v2 =	vand.u32 $0x70, v2;
	v1 =	vor.u32 v3, v1  }
0x117: {  	v2 =	vor.u32 v3, v2  }
0x118: {  	v3 =	vor.u32 $0x1, v1  }
0x119: {  	v4 =	vor.u32 $0x1, v2  }
0x11a: {  	v5 =	vor.u32 $0x2, v1  }
0x11b: {  	v7 =	vor.u32 $0x2, v2;
	v6 =	vld.idx.msk [tilespmem:v1+s13+$0x0], $0xffff  }
0x11c: {  	v9 =	vor.u32 $0x3, v1;
	v8 =	vld.idx.msk [tilespmem:v2+s15+$0x0], $0xffff  }
0x11d: {  	v10 =	vor.u32 $0x3, v2;
	v3 =	vld.idx.msk [tilespmem:v3+s13+$0x0], $0xffff  }
0x11e: {  	v11 =	vor.u32 $0x4, v1;
	v4 =	vld.idx.msk [tilespmem:v4+s15+$0x0], $0xffff  }
0x11f: {  	v12 =	vor.u32 $0x4, v2;
	v5 =	vld.idx.msk [tilespmem:v5+s13+$0x0], $0xffff  }
0x120: {  	v13 =	vor.u32 $0x5, v1;
	v7 =	vld.idx.msk [tilespmem:v7+s15+$0x0], $0xffff  }
0x121: {  	v14 =	vor.u32 $0x5, v2;
	v9 =	vld.idx.msk [tilespmem:v9+s13+$0x0], $0xffff  }
0x122: {  	v6 =	vmul.f32 v8, v6;
	v8 =	vld.idx.msk [tilespmem:v10+s15+$0x0], $0xffff;
	v10 =	vor.u32 $0x6, v1  }
0x123: {  	v15 =	vor.u32 $0x6, v2;
	v11 =	vld.idx.msk [tilespmem:v11+s13+$0x0], $0xffff  }
0x124: {  	v6 =	vadd.f32 $0.0e+00, v6;
	v3 =	vmul.f32 v4, v3;
	v4 =	vld.idx.msk [tilespmem:v12+s15+$0x0], $0xffff;
	v12 =	vor.u32 $0x7, v1  }
0x125: {  	v16 =	vor.u32 $0x7, v2;
	v13 =	vld.idx.msk [tilespmem:v13+s13+$0x0], $0xffff  }
0x126: {  	v3 =	vadd.f32 v3, v6;
	v5 =	vmul.f32 v7, v5;
	v7 =	vor.u32 $0x8, v1;
	v6 =	vld.idx.msk [tilespmem:v14+s15+$0x0], $0xffff  }
0x127: {  	v14 =	vor.u32 $0x8, v2;
	v10 =	vld.idx.msk [tilespmem:v10+s13+$0x0], $0xffff  }
0x128: {  	v3 =	vadd.f32 v5, v3;
	v5 =	vmul.f32 v8, v9;
	v9 =	vor.u32 $0x9, v1;
	v8 =	vld.idx.msk [tilespmem:v15+s15+$0x0], $0xffff  }
0x129: {  	v15 =	vor.u32 $0x9, v2;
	v12 =	vld.idx.msk [tilespmem:v12+s13+$0x0], $0xffff  }
0x12a: {  	v3 =	vadd.f32 v5, v3;
	v4 =	vmul.f32 v4, v11;
	v11 =	vor.u32 $0xA, v1;
	v5 =	vld.idx.msk [tilespmem:v16+s15+$0x0], $0xffff  }
0x12b: {  	v16 =	vor.u32 $0xA, v2;
	v7 =	vld.idx.msk [tilespmem:v7+s13+$0x0], $0xffff  }
0x12c: {  	v3 =	vadd.f32 v4, v3;
	v4 =	vmul.f32 v6, v13;
	v13 =	vor.u32 $0xB, v1;
	v6 =	vld.idx.msk [tilespmem:v14+s15+$0x0], $0xffff  }
0x12d: {  	v14 =	vor.u32 $0xB, v2;
	v9 =	vld.idx.msk [tilespmem:v9+s13+$0x0], $0xffff  }
0x12e: {  	v3 =	vadd.f32 v4, v3;
	v4 =	vmul.f32 v8, v10;
	v10 =	vor.u32 $0xC, v1;
	v8 =	vld.idx.msk [tilespmem:v15+s15+$0x0], $0xffff  }
0x12f: {  	v15 =	vor.u32 $0xC, v2;
	v11 =	vld.idx.msk [tilespmem:v11+s13+$0x0], $0xffff  }
0x130: {  	v3 =	vadd.f32 v4, v3;
	v4 =	vmul.f32 v5, v12;
	v12 =	vor.u32 $0xD, v1;
	v5 =	vld.idx.msk [tilespmem:v16+s15+$0x0], $0xffff  }
0x131: {  	v16 =	vor.u32 $0xD, v2;
	v13 =	vld.idx.msk [tilespmem:v13+s13+$0x0], $0xffff  }
0x132: {  	v3 =	vadd.f32 v4, v3;
	v4 =	vmul.f32 v6, v7;
	v7 =	vor.u32 $0xE, v1;
	v6 =	vld.idx.msk [tilespmem:v14+s15+$0x0], $0xffff  }
0x133: {  	v14 =	vor.u32 $0xE, v2;
	v10 =	vld.idx.msk [tilespmem:v10+s13+$0x0], $0xffff  }
0x134: {  	v1 =	vor.u32 $0xF, v1;
	v3 =	vadd.f32 v4, v3;
	v4 =	vmul.f32 v8, v9;
	v8 =	vld.idx.msk [tilespmem:v15+s15+$0x0], $0xffff  }
0x135: {  	v2 =	vor.u32 $0xF, v2;
	v9 =	vld.idx.msk [tilespmem:v12+s13+$0x0], $0xffff  }
0x136: {  	v3 =	vadd.f32 v4, v3;
	v4 =	vmul.f32 v5, v11;
	v5 =	vld.idx.msk [tilespmem:v16+s15+$0x0], $0xffff  }
0x137: {  	v7 =	vld.idx.msk [tilespmem:v7+s13+$0x0], $0xffff  }
0x138: {  	v3 =	vadd.f32 v4, v3;
	v4 =	vmul.f32 v6, v13;
	v6 =	vld.idx.msk [tilespmem:v14+s15+$0x0], $0xffff  }
0x139: {  	v1 =	vld.idx.msk [tilespmem:v1+s13+$0x0], $0xffff  }
0x13a: {  	v3 =	vadd.f32 v4, v3;
	v4 =	vmul.f32 v8, v10;
	v2 =	vld.idx.msk [tilespmem:v2+s15+$0x0], $0xffff;
	_ =	sdelay $0x1  }
0x13b: {  	v3 =	vadd.f32 v4, v3;
	v4 =	vmul.f32 v5, v9;
	_ =	sdelay $0x1  }
0x13c: {  	v3 =	vadd.f32 v4, v3;
	v4 =	vmul.f32 v6, v7;
	_ =	sdelay $0x1  }
0x13d: {  	v3 =	vadd.f32 v4, v3;
	v1 =	vmul.f32 v2, v1;
	_ =	sdelay $0x1  }
0x13e: {  	v1 =	vadd.f32 v1, v3;
	_ =	sdelay $0x1  }
0x13f: {  	v1 =	vsub.f32 $0.0e+00, v1;
	_ =	sdelay $0x1  }
0x140: {  	v1 =	vmul.f32 $1.442695020e+00, v1;
	_ =	sdelay $0x1  }
0x141: {  	(erf) = vpow2.f32 v1;
	_ =	sdelay $0x8  }
0x142: {  	v1 =	vpop (erf)  }
0x143: {  	v1 =	vadd.f32 $1.000000000e+00, v1;
	_ =	sdelay $0x1  }
0x144: {  	(erf) = vrcp.f32 v1;
	_ =	sdelay $0x7  }
.Ltmp2:
0x145: {  	(pc) =	sbr.rel @p0 .LBB2_6-.Ltmp2, $4  }
0x146: {  	s22 =	sadd.s32 $0x10, s22;
	v1 =	vpop (erf)  }
0x147: {  	s23 =	sadd.s32 $0x10, s23;
	[tilespmem:s22+$0x0] =	vst v1  }
0x148: {  	s24 =	sadd.s32 $0x10, s24;
	v1 =	vld [tilespmem:s23+$0x0]  }
0x149: {  	s26 =	sadd.s32 $0x10, s26;
	v2 =	vld [tilespmem:s24+$0x0]  }
0x14a: {  	_ =	sdelay $0x1  }
0x14b: {  	v3 =	vmov s25  }
0x14c: {  	v3 =	vshll.u32 v3, $0x7;
	v1 =	vshll.u32 v1, $0x4  }
0x14d: {  	v3 =	vor.u32 v0, v3;
	v1 =	vand.u32 $0x70, v1;
	v2 =	vshll.u32 v2, $0x4  }
0x14e: {  	v2 =	vand.u32 $0x70, v2;
	v1 =	vor.u32 v3, v1  }
0x14f: {  	v2 =	vor.u32 v3, v2  }
0x150: {  	v3 =	vor.u32 $0x1, v1  }
0x151: {  	v4 =	vor.u32 $0x1, v2  }
0x152: {  	v5 =	vor.u32 $0x2, v1  }
0x153: {  	v7 =	vor.u32 $0x2, v2;
	v6 =	vld.idx.msk [tilespmem:v1+s13+$0x0], $0xffff  }
0x154: {  	v9 =	vor.u32 $0x3, v1;
	v8 =	vld.idx.msk [tilespmem:v2+s15+$0x0], $0xffff  }
0x155: {  	v10 =	vor.u32 $0x3, v2;
	v3 =	vld.idx.msk [tilespmem:v3+s13+$0x0], $0xffff  }
0x156: {  	v11 =	vor.u32 $0x4, v1;
	v4 =	vld.idx.msk [tilespmem:v4+s15+$0x0], $0xffff  }
0x157: {  	v12 =	vor.u32 $0x4, v2;
	v5 =	vld.idx.msk [tilespmem:v5+s13+$0x0], $0xffff  }
0x158: {  	v13 =	vor.u32 $0x5, v1;
	v7 =	vld.idx.msk [tilespmem:v7+s15+$0x0], $0xffff  }
0x159: {  	v14 =	vor.u32 $0x5, v2;
	v9 =	vld.idx.msk [tilespmem:v9+s13+$0x0], $0xffff;
	v6 =	vmul.f32 v8, v6  }
0x15a: {  	v25 =	vor.u32 $0x6, v1;
	v24 =	vld.idx.msk [tilespmem:v10+s15+$0x0], $0xffff  }
0x15b: {  	v15 =	vor.u32 $0x6, v2;
	v11 =	vld.idx.msk [tilespmem:v11+s13+$0x0], $0xffff;
	v3 =	vmul.f32 v4, v3;
	v6 =	vadd.f32 $0.0e+00, v6  }
0x15c: {  	v27 =	vor.u32 $0x7, v1;
	v26 =	vld.idx.msk [tilespmem:v12+s15+$0x0], $0xffff  }
0x15d: {  	v16 =	vor.u32 $0x7, v2;
	v13 =	vld.idx.msk [tilespmem:v13+s13+$0x0], $0xffff;
	v5 =	vmul.f32 v7, v5;
	v3 =	vadd.f32 v3, v6  }
0x15e: {  	v30 =	vor.u32 $0x8, v2;
	v28 =	vld.idx.msk [tilespmem:v14+s15+$0x0], $0xffff  }
0x15f: {  	v29 =	vor.u32 $0x8, v1;
	v10 =	vld.idx.msk [tilespmem:v25+s13+$0x0], $0xffff;
	v31 =	vmul.f32 v24, v9;
	v3 =	vadd.f32 v5, v3  }
0x160: {  	v34 =	vor.u32 $0x9, v2;
	v32 =	vld.idx.msk [tilespmem:v15+s15+$0x0], $0xffff  }
0x161: {  	v33 =	vor.u32 $0x9, v1;
	v12 =	vld.idx.msk [tilespmem:v27+s13+$0x0], $0xffff;
	v4 =	vmul.f32 v26, v11;
	v3 =	vadd.f32 v31, v3  }
0x162: {  	v37 =	vor.u32 $0xA, v2;
	v35 =	vld.idx.msk [tilespmem:v16+s15+$0x0], $0xffff  }
0x163: {  	v36 =	vor.u32 $0xA, v1;
	v39 =	vld.idx.msk [tilespmem:v30+s15+$0x0], $0xffff;
	v38 =	vmul.f32 v28, v13;
	v3 =	vadd.f32 v4, v3  }
0x164: {  	v41 =	vor.u32 $0xB, v2;
	v7 =	vld.idx.msk [tilespmem:v29+s13+$0x0], $0xffff  }
0x165: {  	v40 =	vor.u32 $0xB, v1;
	v43 =	vld.idx.msk [tilespmem:v34+s15+$0x0], $0xffff;
	v42 =	vmul.f32 v32, v10;
	v3 =	vadd.f32 v38, v3  }
0x166: {  	v45 =	vor.u32 $0xC, v2;
	v9 =	vld.idx.msk [tilespmem:v33+s13+$0x0], $0xffff  }
0x167: {  	v44 =	vor.u32 $0xC, v1;
	v47 =	vld.idx.msk [tilespmem:v37+s15+$0x0], $0xffff;
	v46 =	vmul.f32 v35, v12;
	v3 =	vadd.f32 v42, v3  }
0x168: {  	v48 =	vor.u32 $0xD, v1;
	v11 =	vld.idx.msk [tilespmem:v36+s13+$0x0], $0xffff  }
0x169: {  	v49 =	vor.u32 $0xD, v2;
	v51 =	vld.idx.msk [tilespmem:v41+s15+$0x0], $0xffff;
	v50 =	vmul.f32 v39, v7;
	v3 =	vadd.f32 v46, v3  }
0x16a: {  	v53 =	vor.u32 $0xE, v2;
	v13 =	vld.idx.msk [tilespmem:v40+s13+$0x0], $0xffff  }
0x16b: {  	v52 =	vor.u32 $0xE, v1;
	v55 =	vld.idx.msk [tilespmem:v45+s15+$0x0], $0xffff;
	v54 =	vmul.f32 v43, v9;
	v3 =	vadd.f32 v50, v3  }
0x16c: {  	v1 =	vor.u32 $0xF, v1;
	v10 =	vld.idx.msk [tilespmem:v44+s13+$0x0], $0xffff  }
0x16d: {  	v56 =	vld.idx.msk [tilespmem:v48+s13+$0x0], $0xffff;
	v2 =	vor.u32 $0xF, v2;
	v57 =	vmul.f32 v47, v11;
	v3 =	vadd.f32 v54, v3  }
0x16e: {  	v58 =	vld.idx.msk [tilespmem:v49+s15+$0x0], $0xffff  }
0x16f: {  	v60 =	vld.idx.msk [tilespmem:v53+s15+$0x0], $0xffff;
	v59 =	vmul.f32 v51, v13;
	v3 =	vadd.f32 v57, v3  }
0x170: {  	v7 =	vld.idx.msk [tilespmem:v52+s13+$0x0], $0xffff  }
0x171: {  	v1 =	vld.idx.msk [tilespmem:v1+s13+$0x0], $0xffff;
	v61 =	vmul.f32 v55, v10;
	v3 =	vadd.f32 v59, v3  }
0x172: {  	v2 =	vld.idx.msk [tilespmem:v2+s15+$0x0], $0xffff  }
0x173: {  	v62 =	vmul.f32 v58, v56;
	v3 =	vadd.f32 v61, v3;
	_ =	sdelay $0x1  }
0x174: {  	v63 =	vmul.f32 v60, v7;
	v3 =	vadd.f32 v62, v3;
	_ =	sdelay $0x1  }
0x175: {  	v1 =	vmul.f32 v2, v1;
	v3 =	vadd.f32 v63, v3;
	_ =	sdelay $0x1  }
0x176: {  	v1 =	vadd.f32 v1, v3;
	_ =	sdelay $0x1  }
0x177: {  	v1 =	vsub.f32 $0.0e+00, v1;
	_ =	sdelay $0x1  }
0x178: {  	v1 =	vmul.f32 $1.442695020e+00, v1;
	_ =	sdelay $0x1  }
0x179: {  	(erf) = vpow2.f32 v1;
	_ =	sdelay $0x8  }
0x17a: {  	v1 =	vpop (erf)  }
0x17b: {  	v1 =	vadd.f32 $1.000000000e+00, v1;
	_ =	sdelay $0x1  }
0x17c: {  	(erf) = vrcp.f32 v1;
	_ =	sdelay $0x7  }
0x17d: {  	s21 =	sadd.s32 $0x1, s21  }
0x17e: {  	s22 =	sadd.s32 $0x10, s22;
	p0 =	sne.s32 s21, s8;
	v1 =	vpop (erf)  }
.Ltmp3:
0x17f: {  	[tilespmem:s22+$0x0] =	vst v1;
	(pc) =	sbr.rel @p0 .LBB2_1-.Ltmp3, $4  }
0x180: {  	[hbm4b:s7+s2] =	stream.linear.scatter [tilespmem:s20], [sflag:$0x3], $0x200, $0x38;
	[tilespmem:$0x10A00] =	vst v63  }
0x181: {  	_ =	swait.ge [sflag:s9], $0x200  }
0x182: {  	[sflag:s9] =	ssyncset.done $0x0  }
0x183: {  	[sflag:s9] =	ssyncadd.s32 $0xFFFFFE00  }
0x184: {  	_ =	sfence.sel $0x180000  }
0x185: {  	[bflag:$0x0] =	sbarrier.arrive $0xFFFF  }
0x186: {  	p0 =	sne.s32 s1, $0x0;
	_ =	strace $0x90000047  }
0x187: {  	s0 =	sadd.s32 @!p0 $0x100000, s0;
	[bflag:$0x2] =	sbarrier.arrive $0xFFFF  }
0x188: {  	[sflag:s0] =	ssyncadd.tile.s32 @!p0 $0x1;
	_ =	shalt  }
.Lfunc_end2:
_tile_overlayer_lowered:
.L_overlay_start_2:
0x189: {  	(tag) =	ssettag $0x2  }
0x18a: {  	s0 =	rddreg [dreg:$0x0];
	s2 =	stileid.u32  }
0x18b: {  	s1 =	rddreg [dreg:$0x1];
	p0 =	sne.s32 s2, $0x0  }
0x18c: {  	s3 =	rddreg [dreg:$0x2];
	[bflag:$0x3] =	sbarrier.arrive $0xFFFF;
	s2 =	simm.s32 @!p0 $0x1C03  }
0x18d: {  	[timem:s3], [sflag:s2] =	dma.local @!p0 [hbm:s0], s1  }
0x18e: {  	s0 =	simm.s32 @!p0 $0x3  }
0x18f: {  	_ =	swait.ge @!p0 [sflag:s0], s1  }
0x190: {  	s1 =	ssub.s32 @!p0 $0x0, s1;
	[sflag:s0] =	ssyncset.done @!p0 $0x0  }
0x191: {  	[sflag:s0] =	ssyncadd.s32 @!p0 s1  }
0x192: {  	[bflag:$0x3] =	sbarrier.arrive $0xFFFF  }
0x193: {  	_ =	shalt  }

</sc_bundles>
